<compile_context>
chip_gen: v7x
topology: tpu7x:2x2x1
jax: 0.10.2.dev20260603
libtpu: 0.0.44.dev20260713+nightly
codegen_flags: <defaults>
</compile_context>

<pallas_src>
import functools

import jax
import jax.numpy as jnp
from jax import lax
from jax.experimental import pallas as pl
from jax.experimental.pallas import tpu as pltpu
from jax.experimental.pallas import tpu_sc as plsc

_B, _S = 4096, 200
_D = 32
_NC, _NS = 2, 16
_NW = _NC * _NS
_CHUNK = 1024
_CPS = _B // _CHUNK
_NUNIT = _S * _CPS
_PER_W = _NUNIT // _NW

_mesh = plsc.VectorSubcoreMesh(core_axis_name="c", subcore_axis_name="s")


@functools.partial(
    pl.kernel,
    mesh=_mesh,
    out_type=jax.ShapeDtypeStruct((_S, _B, _D), jnp.float32),
    scratch_types=[
        pltpu.VMEM((2, _CHUNK), jnp.int32),
        pltpu.VMEM((_CHUNK, _D), jnp.float32),
        pltpu.VMEM((_CHUNK, _D), jnp.float32),
        pltpu.SemaphoreType.DMA,
        pltpu.SemaphoreType.DMA,
        pltpu.SemaphoreType.DMA,
        pltpu.SemaphoreType.DMA,
        pltpu.SemaphoreType.DMA,
        pltpu.SemaphoreType.DMA,
    ],
    compiler_params=pltpu.CompilerParams(use_tc_tiling_on_sc=False),
)
def _gather_kernel(idx_hbm, table_hbm, out_hbm, idx_v, rows0, rows1,
                   isem0, isem1, gsem0, gsem1, wsem0, wsem1):
    wid = lax.axis_index("s") * _NC + lax.axis_index("c")
    u0 = wid * _PER_W

    rows = (rows0, rows1)
    isem = (isem0, isem1)
    gsem = (gsem0, gsem1)
    wsem = (wsem0, wsem1)

    def idx_src(u):
        s, c = u // _CPS, u % _CPS
        return idx_hbm.at[s, pl.ds(c * _CHUNK, _CHUNK)]

    def start_idx(j, b):
        pltpu.async_copy(idx_src(u0 + j), idx_v.at[b], isem[b])

    def gather(j, b):
        pltpu.make_async_copy(idx_src(u0), idx_v.at[b], isem[b]).wait()
        pltpu.async_copy(table_hbm.at[idx_v.at[b]], rows[b], gsem[b])

    def start_write(j, b):
        u = u0 + j
        s, c = u // _CPS, u % _CPS
        pltpu.make_async_copy(table_hbm.at[idx_v.at[b]], rows[b],
                              gsem[b]).wait()
        pltpu.async_copy(rows[b], out_hbm.at[s, pl.ds(c * _CHUNK, _CHUNK)],
                         wsem[b])

    def wait_write(b):
        pltpu.make_async_copy(rows[b], out_hbm.at[0, pl.ds(0, _CHUNK)],
                              wsem[b]).wait()

    start_idx(0, 0)
    gather(0, 0)
    start_idx(1, 1)

    def body(j, carry):
        b = lax.rem(j, 2)

        @pl.when(b == 0)
        def _():
            start_write(j, 0)

            @pl.when(j + 1 < _PER_W)
            def _():
                gather(j + 1, 1)

            @pl.when(j + 2 < _PER_W)
            def _():
                wait_write(0)
                start_idx(j + 2, 0)

        @pl.when(b == 1)
        def _():
            start_write(j, 1)

            @pl.when(j + 1 < _PER_W)
            def _():
                gather(j + 1, 0)

            @pl.when(j + 2 < _PER_W)
            def _():
                wait_write(1)
                start_idx(j + 2, 1)

        return carry

    lax.fori_loop(0, _PER_W, body, 0)
    wait_write((_PER_W - 1) % 2)
    wait_write(_PER_W % 2)


def kernel(entity_indices, entity_embeddings):
    idx_t = jnp.transpose(entity_indices)
    out = _gather_kernel(idx_t, entity_embeddings)
    return jnp.transpose(out, (1, 0, 2))

# --- scband reference (transcript-rebuilt; emitter-appended) ---
"""Pipeline reference for scband-entity-index-to-embedding-mapper-89129161326790 (READ-ONLY COPY).

The authoritative reference and input builder live on the scoring server;
editing this copy changes nothing except your own understanding.
"""

import jax, jax.numpy as jnp
import numpy as np

NUM_ENTITIES = 1000000
ENT_DIM = 32


def setup_inputs(seed: int = 0) -> dict:
    key = jax.random.key(seed)
    k_idx, k_tab = jax.random.split(key)
    entity_indices = jax.random.randint(k_idx, (4096, 200), 0, NUM_ENTITIES, dtype=jnp.int32)
    # In the original module the table is a buffer populated from a DB store;
    # here we materialize it with random values of the same shape/dtype.
    entity_embeddings = jax.random.normal(k_tab, (NUM_ENTITIES, ENT_DIM), dtype=jnp.float32)
    return {"entity_indices": entity_indices, "entity_embeddings": entity_embeddings}


def reference(entity_indices, entity_embeddings):
    # Faithful translation of: self.entity_embeddings[entity_indices]
    return jnp.take(entity_embeddings, entity_indices, axis=0)

if __name__ == "__main__":
    import jax
    _d = setup_inputs()
    print(jax.jit(kernel)(*tuple(_d.values())))

</pallas_src>

<mosaic_0001>
#map = affine_map<(d0, d1) -> (0, 0)>
#map1 = affine_map<(d0, d1) -> (0, 0, 0)>
module attributes {stable_mosaic.version = 14 : i64} {
  func.func @_gather_kernel(%arg0: i32, %arg1: i32, %arg2: memref<200x4096xi32, #tpu.memory_space<hbm>>, %arg3: memref<1000000x32xf32, #tpu.memory_space<hbm>>, %arg4: memref<200x4096x32xf32, #tpu.memory_space<hbm>>, %arg5: memref<2x1024xi32, #tpu.memory_space<vmem>>, %arg6: memref<1024x32xf32, #tpu.memory_space<vmem>>, %arg7: memref<1024x32xf32, #tpu.memory_space<vmem>>, %arg8: memref<!tpu.dma_semaphore, #tpu.memory_space<semaphore_mem>>, %arg9: memref<!tpu.dma_semaphore, #tpu.memory_space<semaphore_mem>>, %arg10: memref<!tpu.dma_semaphore, #tpu.memory_space<semaphore_mem>>, %arg11: memref<!tpu.dma_semaphore, #tpu.memory_space<semaphore_mem>>, %arg12: memref<!tpu.dma_semaphore, #tpu.memory_space<semaphore_mem>>, %arg13: memref<!tpu.dma_semaphore, #tpu.memory_space<semaphore_mem>>) attributes {dimension_semantics = [#tpu.dimension_semantics<core_parallel>, #tpu.dimension_semantics<subcore_parallel>], iteration_bounds = array<i64: 2, 16>, scalar_prefetch = 0 : i64, scratch_operands = 9 : i64, tpu.core_type = #tpu.core_type<sc_vector_subcore>, window_params = [{transform_indices = #map}, {transform_indices = #map}, {transform_indices = #map1}]} {
    %mul3A = arith.constant 2 : i32
    %mul3A_0 = arith.muli %arg1, %mul3A : i32
    %add3A = arith.addi %mul3A_0, %arg0 : i32
    %mul3A_1 = arith.constant 25 : i32
    %mul3A_2 = arith.muli %add3A, %mul3A_1 : i32
    %add3A_3 = arith.constant 0 : i32
    %add3A_4 = arith.addi %mul3A_2, %add3A_3 : i32
    %jit3A = arith.constant 4 : i32
    %div3A = arith.divsi %add3A_4, %jit3A : i32
    %sign3A = arith.constant 0 : i32
    %sign3A_5 = arith.cmpi sgt, %add3A_4, %sign3A : i32
    %sign3A_6 = arith.extui %sign3A_5 : i1 to i32
    %sign3A_7 = arith.constant 0 : i32
    %sign3A_8 = arith.cmpi slt, %add3A_4, %sign3A_7 : i32
    %sign3A_9 = arith.extui %sign3A_8 : i1 to i32
    %sign3A_10 = arith.subi %sign3A_6, %sign3A_9 : i32
    %sign3A_11 = arith.constant 0 : i32
    %sign3A_12 = arith.cmpi sgt, %jit3A, %sign3A_11 : i32
    %sign3A_13 = arith.extui %sign3A_12 : i1 to i32
    %sign3A_14 = arith.constant 0 : i32
    %sign3A_15 = arith.cmpi slt, %jit3A, %sign3A_14 : i32
    %sign3A_16 = arith.extui %sign3A_15 : i1 to i32
    %sign3A_17 = arith.subi %sign3A_13, %sign3A_16 : i32
    %ne3A = arith.cmpi ne, %sign3A_10, %sign3A_17 : i32
    %rem3A = arith.remsi %add3A_4, %jit3A : i32
    %ne3A_18 = arith.constant 0 : i32
    %ne3A_19 = arith.cmpi ne, %rem3A, %ne3A_18 : i32
    %and3A = arith.andi %ne3A, %ne3A_19 : i1
    %sub3A = arith.constant 1 : i32
    %sub3A_20 = arith.subi %div3A, %sub3A : i32
    %select_n3A = arith.select %and3A, %sub3A_20, %div3A : i32
    %jit3A_21 = arith.constant 4 : i32
    %eq3A = arith.constant 0 : i32
    %eq3A_22 = arith.cmpi eq, %jit3A_21, %eq3A : i32
    %jit3A_23 = arith.constant 1 : i32
    %select_n3A_24 = arith.select %eq3A_22, %jit3A_23, %jit3A_21 : i32
    %rem3A_25 = arith.remsi %add3A_4, %select_n3A_24 : i32
    %ne3A_26 = arith.constant 0 : i32
    %ne3A_27 = arith.cmpi ne, %rem3A_25, %ne3A_26 : i32
    %lt3A = arith.constant 0 : i32
    %lt3A_28 = arith.cmpi slt, %rem3A_25, %lt3A : i32
    %lt3A_29 = arith.constant 0 : i32
    %lt3A_30 = arith.cmpi slt, %select_n3A_24, %lt3A_29 : i32
    %ne3A_31 = arith.xori %lt3A_28, %lt3A_30 : i1
    %and3A_32 = arith.andi %ne3A_31, %ne3A_27 : i1
    %add3A_33 = arith.addi %rem3A_25, %select_n3A_24 : i32
    %select_n3A_34 = arith.select %and3A_32, %add3A_33, %rem3A_25 : i32
    %mul3A_35 = arith.constant 1024 : i32
    %mul3A_36 = arith.muli %select_n3A_34, %mul3A_35 : i32
    %dma_start3A = arith.constant 0 : i32
    %dma_start3A_37 = arith.constant 0 : i32
    %dma_start3A_38 = tpu.memref_slice %arg5[%dma_start3A, %dma_start3A_37] : memref<2x1024xi32, #tpu.memory_space<vmem>> -> memref<1x1024xi32, #tpu.memory_space<vmem>>
    %dma_start3A_39 = tpu.memref_squeeze %dma_start3A_38 : memref<1x1024xi32, #tpu.memory_space<vmem>> -> memref<1024xi32, #tpu.memory_space<vmem>>
    %dma_start3A_40 = tpu.memref_slice %arg2[%select_n3A, %mul3A_36] : memref<200x4096xi32, #tpu.memory_space<hbm>> -> memref<1x1024xi32, #tpu.memory_space<hbm>>
    %dma_start3A_41 = tpu.memref_squeeze %dma_start3A_40 : memref<1x1024xi32, #tpu.memory_space<hbm>> -> memref<1024xi32, #tpu.memory_space<hbm>>
    %dma_start3A_42 = arith.constant 0 : i32
    %dma_start3A_43 = tpu.memref_slice %arg5[%dma_start3A, %dma_start3A_42] : memref<2x1024xi32, #tpu.memory_space<vmem>> -> memref<1x1024xi32, #tpu.memory_space<vmem>>
    %dma_start3A_44 = tpu.memref_squeeze %dma_start3A_43 : memref<1x1024xi32, #tpu.memory_space<vmem>> -> memref<1024xi32, #tpu.memory_space<vmem>>
    %dma_start3A_45 = tpu.memref_slice %arg2[%select_n3A, %mul3A_36] : memref<200x4096xi32, #tpu.memory_space<hbm>> -> memref<1x1024xi32, #tpu.memory_space<hbm>>
    %dma_start3A_46 = tpu.memref_squeeze %dma_start3A_45 : memref<1x1024xi32, #tpu.memory_space<hbm>> -> memref<1024xi32, #tpu.memory_space<hbm>>
    tpu.enqueue_dma source(%dma_start3A_46 : memref<1024xi32, #tpu.memory_space<hbm>>) target(%dma_start3A_44 : memref<1024xi32, #tpu.memory_space<vmem>>) target_semaphore(%arg8 : memref<!tpu.dma_semaphore, #tpu.memory_space<semaphore_mem>>)
    %jit3A_47 = arith.constant 4 : i32
    %div3A_48 = arith.divsi %mul3A_2, %jit3A_47 : i32
    %sign3A_49 = arith.constant 0 : i32
    %sign3A_50 = arith.cmpi sgt, %mul3A_2, %sign3A_49 : i32
    %sign3A_51 = arith.extui %sign3A_50 : i1 to i32
    %sign3A_52 = arith.constant 0 : i32
    %sign3A_53 = arith.cmpi slt, %mul3A_2, %sign3A_52 : i32
    %sign3A_54 = arith.extui %sign3A_53 : i1 to i32
    %sign3A_55 = arith.subi %sign3A_51, %sign3A_54 : i32
    %sign3A_56 = arith.constant 0 : i32
    %sign3A_57 = arith.cmpi sgt, %jit3A_47, %sign3A_56 : i32
    %sign3A_58 = arith.extui %sign3A_57 : i1 to i32
    %sign3A_59 = arith.constant 0 : i32
    %sign3A_60 = arith.cmpi slt, %jit3A_47, %sign3A_59 : i32
    %sign3A_61 = arith.extui %sign3A_60 : i1 to i32
    %sign3A_62 = arith.subi %sign3A_58, %sign3A_61 : i32
    %ne3A_63 = arith.cmpi ne, %sign3A_55, %sign3A_62 : i32
    %rem3A_64 = arith.remsi %mul3A_2, %jit3A_47 : i32
    %ne3A_65 = arith.constant 0 : i32
    %ne3A_66 = arith.cmpi ne, %rem3A_64, %ne3A_65 : i32
    %and3A_67 = arith.andi %ne3A_63, %ne3A_66 : i1
    %sub3A_68 = arith.constant 1 : i32
    %sub3A_69 = arith.subi %div3A_48, %sub3A_68 : i32
    %select_n3A_70 = arith.select %and3A_67, %sub3A_69, %div3A_48 : i32
    %jit3A_71 = arith.constant 4 : i32
    %eq3A_72 = arith.constant 0 : i32
    %eq3A_73 = arith.cmpi eq, %jit3A_71, %eq3A_72 : i32
    %jit3A_74 = arith.constant 1 : i32
    %select_n3A_75 = arith.select %eq3A_73, %jit3A_74, %jit3A_71 : i32
    %rem3A_76 = arith.remsi %mul3A_2, %select_n3A_75 : i32
    %ne3A_77 = arith.constant 0 : i32
    %ne3A_78 = arith.cmpi ne, %rem3A_76, %ne3A_77 : i32
    %lt3A_79 = arith.constant 0 : i32
    %lt3A_80 = arith.cmpi slt, %rem3A_76, %lt3A_79 : i32
    %lt3A_81 = arith.constant 0 : i32
    %lt3A_82 = arith.cmpi slt, %select_n3A_75, %lt3A_81 : i32
    %ne3A_83 = arith.xori %lt3A_80, %lt3A_82 : i1
    %and3A_84 = arith.andi %ne3A_83, %ne3A_78 : i1
    %add3A_85 = arith.addi %rem3A_76, %select_n3A_75 : i32
    %select_n3A_86 = arith.select %and3A_84, %add3A_85, %rem3A_76 : i32
    %mul3A_87 = arith.constant 1024 : i32
    %mul3A_88 = arith.muli %select_n3A_86, %mul3A_87 : i32
    %dma_wait3A = arith.constant 0 : i32
    %dma_wait3A_89 = arith.constant 0 : i32
    %dma_wait3A_90 = tpu.memref_slice %arg5[%dma_wait3A, %dma_wait3A_89] : memref<2x1024xi32, #tpu.memory_space<vmem>> -> memref<1x1024xi32, #tpu.memory_space<vmem>>
    %dma_wait3A_91 = tpu.memref_squeeze %dma_wait3A_90 : memref<1x1024xi32, #tpu.memory_space<vmem>> -> memref<1024xi32, #tpu.memory_space<vmem>>
    %dma_wait3A_92 = tpu.memref_slice %arg2[%select_n3A_70, %mul3A_88] : memref<200x4096xi32, #tpu.memory_space<hbm>> -> memref<1x1024xi32, #tpu.memory_space<hbm>>
    %dma_wait3A_93 = tpu.memref_squeeze %dma_wait3A_92 : memref<1x1024xi32, #tpu.memory_space<hbm>> -> memref<1024xi32, #tpu.memory_space<hbm>>
    %dma_wait3A_94 = arith.constant 0 : i32
    %dma_wait3A_95 = tpu.memref_slice %arg5[%dma_wait3A, %dma_wait3A_94] : memref<2x1024xi32, #tpu.memory_space<vmem>> -> memref<1x1024xi32, #tpu.memory_space<vmem>>
    %dma_wait3A_96 = tpu.memref_squeeze %dma_wait3A_95 : memref<1x1024xi32, #tpu.memory_space<vmem>> -> memref<1024xi32, #tpu.memory_space<vmem>>
    %dma_wait3A_97 = tpu.memref_slice %arg2[%select_n3A_70, %mul3A_88] : memref<200x4096xi32, #tpu.memory_space<hbm>> -> memref<1x1024xi32, #tpu.memory_space<hbm>>
    %dma_wait3A_98 = tpu.memref_squeeze %dma_wait3A_97 : memref<1x1024xi32, #tpu.memory_space<hbm>> -> memref<1024xi32, #tpu.memory_space<hbm>>
    tpu.wait_dma2 semaphore(%arg8 : memref<!tpu.dma_semaphore, #tpu.memory_space<semaphore_mem>>) src(%dma_wait3A_98 : memref<1024xi32, #tpu.memory_space<hbm>>) dst(%dma_wait3A_96 : memref<1024xi32, #tpu.memory_space<vmem>>)
    %dma_start3A_99 = arith.constant 0 : i32
    %dma_start3A_100 = arith.constant 0 : i32
    %dma_start3A_101 = tpu.memref_slice %arg5[%dma_start3A_99, %dma_start3A_100] : memref<2x1024xi32, #tpu.memory_space<vmem>> -> memref<1x1024xi32, #tpu.memory_space<vmem>>
    %dma_start3A_102 = tpu.memref_squeeze %dma_start3A_101 : memref<1x1024xi32, #tpu.memory_space<vmem>> -> memref<1024xi32, #tpu.memory_space<vmem>>
    %dma_start3A_103 = arith.constant 0 : i32
    %dma_start3A_104 = arith.constant 0 : i32
    %dma_start3A_105 = tpu.memref_slice %arg3[%dma_start3A_103, %dma_start3A_104] : memref<1000000x32xf32, #tpu.memory_space<hbm>> -> memref<1000000x32xf32, #tpu.memory_space<hbm>>
    tpu.enqueue_indirect_dma source(%dma_start3A_105 : memref<1000000x32xf32, #tpu.memory_space<hbm>>) target(%arg6 : memref<1024x32xf32, #tpu.memory_space<vmem>>) offsets(%dma_start3A_102 : memref<1024xi32, #tpu.memory_space<vmem>>) semaphore(%arg10 : memref<!tpu.dma_semaphore, #tpu.memory_space<semaphore_mem>>)
    %add3A_106 = arith.constant 1 : i32
    %add3A_107 = arith.addi %mul3A_2, %add3A_106 : i32
    %jit3A_108 = arith.constant 4 : i32
    %div3A_109 = arith.divsi %add3A_107, %jit3A_108 : i32
    %sign3A_110 = arith.constant 0 : i32
    %sign3A_111 = arith.cmpi sgt, %add3A_107, %sign3A_110 : i32
    %sign3A_112 = arith.extui %sign3A_111 : i1 to i32
    %sign3A_113 = arith.constant 0 : i32
    %sign3A_114 = arith.cmpi slt, %add3A_107, %sign3A_113 : i32
    %sign3A_115 = arith.extui %sign3A_114 : i1 to i32
    %sign3A_116 = arith.subi %sign3A_112, %sign3A_115 : i32
    %sign3A_117 = arith.constant 0 : i32
    %sign3A_118 = arith.cmpi sgt, %jit3A_108, %sign3A_117 : i32
    %sign3A_119 = arith.extui %sign3A_118 : i1 to i32
    %sign3A_120 = arith.constant 0 : i32
    %sign3A_121 = arith.cmpi slt, %jit3A_108, %sign3A_120 : i32
    %sign3A_122 = arith.extui %sign3A_121 : i1 to i32
    %sign3A_123 = arith.subi %sign3A_119, %sign3A_122 : i32
    %ne3A_124 = arith.cmpi ne, %sign3A_116, %sign3A_123 : i32
    %rem3A_125 = arith.remsi %add3A_107, %jit3A_108 : i32
    %ne3A_126 = arith.constant 0 : i32
    %ne3A_127 = arith.cmpi ne, %rem3A_125, %ne3A_126 : i32
    %and3A_128 = arith.andi %ne3A_124, %ne3A_127 : i1
    %sub3A_129 = arith.constant 1 : i32
    %sub3A_130 = arith.subi %div3A_109, %sub3A_129 : i32
    %select_n3A_131 = arith.select %and3A_128, %sub3A_130, %div3A_109 : i32
    %jit3A_132 = arith.constant 4 : i32
    %eq3A_133 = arith.constant 0 : i32
    %eq3A_134 = arith.cmpi eq, %jit3A_132, %eq3A_133 : i32
    %jit3A_135 = arith.constant 1 : i32
    %select_n3A_136 = arith.select %eq3A_134, %jit3A_135, %jit3A_132 : i32
    %rem3A_137 = arith.remsi %add3A_107, %select_n3A_136 : i32
    %ne3A_138 = arith.constant 0 : i32
    %ne3A_139 = arith.cmpi ne, %rem3A_137, %ne3A_138 : i32
    %lt3A_140 = arith.constant 0 : i32
    %lt3A_141 = arith.cmpi slt, %rem3A_137, %lt3A_140 : i32
    %lt3A_142 = arith.constant 0 : i32
    %lt3A_143 = arith.cmpi slt, %select_n3A_136, %lt3A_142 : i32
    %ne3A_144 = arith.xori %lt3A_141, %lt3A_143 : i1
    %and3A_145 = arith.andi %ne3A_144, %ne3A_139 : i1
    %add3A_146 = arith.addi %rem3A_137, %select_n3A_136 : i32
    %select_n3A_147 = arith.select %and3A_145, %add3A_146, %rem3A_137 : i32
    %mul3A_148 = arith.constant 1024 : i32
    %mul3A_149 = arith.muli %select_n3A_147, %mul3A_148 : i32
    %dma_start3A_150 = arith.constant 1 : i32
    %dma_start3A_151 = arith.constant 0 : i32
    %dma_start3A_152 = tpu.memref_slice %arg5[%dma_start3A_150, %dma_start3A_151] : memref<2x1024xi32, #tpu.memory_space<vmem>> -> memref<1x1024xi32, #tpu.memory_space<vmem>>
    %dma_start3A_153 = tpu.memref_squeeze %dma_start3A_152 : memref<1x1024xi32, #tpu.memory_space<vmem>> -> memref<1024xi32, #tpu.memory_space<vmem>>
    %dma_start3A_154 = tpu.memref_slice %arg2[%select_n3A_131, %mul3A_149] : memref<200x4096xi32, #tpu.memory_space<hbm>> -> memref<1x1024xi32, #tpu.memory_space<hbm>>
    %dma_start3A_155 = tpu.memref_squeeze %dma_start3A_154 : memref<1x1024xi32, #tpu.memory_space<hbm>> -> memref<1024xi32, #tpu.memory_space<hbm>>
    %dma_start3A_156 = arith.constant 0 : i32
    %dma_start3A_157 = tpu.memref_slice %arg5[%dma_start3A_150, %dma_start3A_156] : memref<2x1024xi32, #tpu.memory_space<vmem>> -> memref<1x1024xi32, #tpu.memory_space<vmem>>
    %dma_start3A_158 = tpu.memref_squeeze %dma_start3A_157 : memref<1x1024xi32, #tpu.memory_space<vmem>> -> memref<1024xi32, #tpu.memory_space<vmem>>
    %dma_start3A_159 = tpu.memref_slice %arg2[%select_n3A_131, %mul3A_149] : memref<200x4096xi32, #tpu.memory_space<hbm>> -> memref<1x1024xi32, #tpu.memory_space<hbm>>
    %dma_start3A_160 = tpu.memref_squeeze %dma_start3A_159 : memref<1x1024xi32, #tpu.memory_space<hbm>> -> memref<1024xi32, #tpu.memory_space<hbm>>
    tpu.enqueue_dma source(%dma_start3A_160 : memref<1024xi32, #tpu.memory_space<hbm>>) target(%dma_start3A_158 : memref<1024xi32, #tpu.memory_space<vmem>>) target_semaphore(%arg9 : memref<!tpu.dma_semaphore, #tpu.memory_space<semaphore_mem>>)
    %scan3A = arith.constant 0 : i32
    %scan3A_161 = arith.constant 0 : i32
    %scan3A_162 = arith.constant 25 : i32
    %scan3A_163 = arith.addi %scan3A_161, %scan3A_162 : i32
    %scan3A_164 = arith.constant 1 : i32
    scf.for %scan3A_184 = %scan3A_161 to %scan3A_163 step %scan3A_164  : i32 {
      %rem3A_185 = arith.constant 2 : i32
      %rem3A_186 = arith.remsi %scan3A_184, %rem3A_185 : i32
      %eq3A_187 = arith.constant 0 : i32
      %eq3A_188 = arith.cmpi eq, %rem3A_186, %eq3A_187 : i32
      %convert_element_type3A = arith.extui %eq3A_188 : i1 to i32
      %cond3A = arith.constant 0 : i32
      %cond3A_189 = arith.cmpi ne, %convert_element_type3A, %cond3A : i32
      scf.if %cond3A_189 {
        %add3A_195 = arith.addi %mul3A_2, %scan3A_184 : i32
        %jit3A_196 = arith.constant 4 : i32
        %div3A_197 = arith.divsi %add3A_195, %jit3A_196 : i32
        %sign3A_198 = arith.constant 0 : i32
        %sign3A_199 = arith.cmpi sgt, %add3A_195, %sign3A_198 : i32
        %sign3A_200 = arith.extui %sign3A_199 : i1 to i32
        %sign3A_201 = arith.constant 0 : i32
        %sign3A_202 = arith.cmpi slt, %add3A_195, %sign3A_201 : i32
        %sign3A_203 = arith.extui %sign3A_202 : i1 to i32
        %sign3A_204 = arith.subi %sign3A_200, %sign3A_203 : i32
        %sign3A_205 = arith.constant 0 : i32
        %sign3A_206 = arith.cmpi sgt, %jit3A_196, %sign3A_205 : i32
        %sign3A_207 = arith.extui %sign3A_206 : i1 to i32
        %sign3A_208 = arith.constant 0 : i32
        %sign3A_209 = arith.cmpi slt, %jit3A_196, %sign3A_208 : i32
        %sign3A_210 = arith.extui %sign3A_209 : i1 to i32
        %sign3A_211 = arith.subi %sign3A_207, %sign3A_210 : i32
        %ne3A_212 = arith.cmpi ne, %sign3A_204, %sign3A_211 : i32
        %rem3A_213 = arith.remsi %add3A_195, %jit3A_196 : i32
        %ne3A_214 = arith.constant 0 : i32
        %ne3A_215 = arith.cmpi ne, %rem3A_213, %ne3A_214 : i32
        %and3A_216 = arith.andi %ne3A_212, %ne3A_215 : i1
        %sub3A_217 = arith.constant 1 : i32
        %sub3A_218 = arith.subi %div3A_197, %sub3A_217 : i32
        %select_n3A_219 = arith.select %and3A_216, %sub3A_218, %div3A_197 : i32
        %jit3A_220 = arith.constant 4 : i32
        %eq3A_221 = arith.constant 0 : i32
        %eq3A_222 = arith.cmpi eq, %jit3A_220, %eq3A_221 : i32
        %jit3A_223 = arith.constant 1 : i32
        %select_n3A_224 = arith.select %eq3A_222, %jit3A_223, %jit3A_220 : i32
        %rem3A_225 = arith.remsi %add3A_195, %select_n3A_224 : i32
        %ne3A_226 = arith.constant 0 : i32
        %ne3A_227 = arith.cmpi ne, %rem3A_225, %ne3A_226 : i32
        %lt3A_228 = arith.constant 0 : i32
        %lt3A_229 = arith.cmpi slt, %rem3A_225, %lt3A_228 : i32
        %lt3A_230 = arith.constant 0 : i32
        %lt3A_231 = arith.cmpi slt, %select_n3A_224, %lt3A_230 : i32
        %ne3A_232 = arith.xori %lt3A_229, %lt3A_231 : i1
        %and3A_233 = arith.andi %ne3A_232, %ne3A_227 : i1
        %add3A_234 = arith.addi %rem3A_225, %select_n3A_224 : i32
        %select_n3A_235 = arith.select %and3A_233, %add3A_234, %rem3A_225 : i32
        %dma_wait3A_236 = arith.constant 0 : i32
        %dma_wait3A_237 = arith.constant 0 : i32
        %dma_wait3A_238 = tpu.memref_slice %arg5[%dma_wait3A_236, %dma_wait3A_237] : memref<2x1024xi32, #tpu.memory_space<vmem>> -> memref<1x1024xi32, #tpu.memory_space<vmem>>
        %dma_wait3A_239 = tpu.memref_squeeze %dma_wait3A_238 : memref<1x1024xi32, #tpu.memory_space<vmem>> -> memref<1024xi32, #tpu.memory_space<vmem>>
        %dma_wait3A_240 = arith.constant 0 : i32
        %dma_wait3A_241 = arith.constant 0 : i32
        %dma_wait3A_242 = tpu.memref_slice %arg3[%dma_wait3A_240, %dma_wait3A_241] : memref<1000000x32xf32, #tpu.memory_space<hbm>> -> memref<1000000x32xf32, #tpu.memory_space<hbm>>
        tpu.wait_indirect_dma semaphore(%arg10 : memref<!tpu.dma_semaphore, #tpu.memory_space<semaphore_mem>>) src(%dma_wait3A_242 : memref<1000000x32xf32, #tpu.memory_space<hbm>>) dst(%arg6 : memref<1024x32xf32, #tpu.memory_space<vmem>>)
        %mul3A_243 = arith.constant 1024 : i32
        %mul3A_244 = arith.muli %select_n3A_235, %mul3A_243 : i32
        %dma_start3A_245 = arith.constant 0 : i32
        %dma_start3A_246 = tpu.memref_slice %arg4[%select_n3A_219, %mul3A_244, %dma_start3A_245] : memref<200x4096x32xf32, #tpu.memory_space<hbm>> -> memref<1x1024x32xf32, #tpu.memory_space<hbm>>
        %dma_start3A_247 = tpu.memref_squeeze %dma_start3A_246 : memref<1x1024x32xf32, #tpu.memory_space<hbm>> -> memref<1024x32xf32, #tpu.memory_space<hbm>>
        %dma_start3A_248 = arith.constant 0 : i32
        %dma_start3A_249 = tpu.memref_slice %arg4[%select_n3A_219, %mul3A_244, %dma_start3A_248] : memref<200x4096x32xf32, #tpu.memory_space<hbm>> -> memref<1x1024x32xf32, #tpu.memory_space<hbm>>
        %dma_start3A_250 = tpu.memref_squeeze %dma_start3A_249 : memref<1x1024x32xf32, #tpu.memory_space<hbm>> -> memref<1024x32xf32, #tpu.memory_space<hbm>>
        tpu.enqueue_dma source(%arg6 : memref<1024x32xf32, #tpu.memory_space<vmem>>) target(%dma_start3A_250 : memref<1024x32xf32, #tpu.memory_space<hbm>>) target_semaphore(%arg12 : memref<!tpu.dma_semaphore, #tpu.memory_space<semaphore_mem>>)
        %add3A_251 = arith.constant 1 : i32
        %add3A_252 = arith.addi %scan3A_184, %add3A_251 : i32
        %lt3A_253 = arith.constant 25 : i32
        %lt3A_254 = arith.cmpi slt, %add3A_252, %lt3A_253 : i32
        %convert_element_type3A_255 = arith.extui %lt3A_254 : i1 to i32
        %cond3A_256 = arith.constant 0 : i32
        %cond3A_257 = arith.cmpi ne, %convert_element_type3A_255, %cond3A_256 : i32
        scf.if %cond3A_257 {
          %add3A_265 = arith.constant 1 : i32
          %add3A_266 = arith.addi %scan3A_184, %add3A_265 : i32
          %jit3A_267 = arith.constant 4 : i32
          %div3A_268 = arith.divsi %mul3A_2, %jit3A_267 : i32
          %sign3A_269 = arith.constant 0 : i32
          %sign3A_270 = arith.cmpi sgt, %mul3A_2, %sign3A_269 : i32
          %sign3A_271 = arith.extui %sign3A_270 : i1 to i32
          %sign3A_272 = arith.constant 0 : i32
          %sign3A_273 = arith.cmpi slt, %mul3A_2, %sign3A_272 : i32
          %sign3A_274 = arith.extui %sign3A_273 : i1 to i32
          %sign3A_275 = arith.subi %sign3A_271, %sign3A_274 : i32
          %sign3A_276 = arith.constant 0 : i32
          %sign3A_277 = arith.cmpi sgt, %jit3A_267, %sign3A_276 : i32
          %sign3A_278 = arith.extui %sign3A_277 : i1 to i32
          %sign3A_279 = arith.constant 0 : i32
          %sign3A_280 = arith.cmpi slt, %jit3A_267, %sign3A_279 : i32
          %sign3A_281 = arith.extui %sign3A_280 : i1 to i32
          %sign3A_282 = arith.subi %sign3A_278, %sign3A_281 : i32
          %ne3A_283 = arith.cmpi ne, %sign3A_275, %sign3A_282 : i32
          %rem3A_284 = arith.remsi %mul3A_2, %jit3A_267 : i32
          %ne3A_285 = arith.constant 0 : i32
          %ne3A_286 = arith.cmpi ne, %rem3A_284, %ne3A_285 : i32
          %and3A_287 = arith.andi %ne3A_283, %ne3A_286 : i1
          %sub3A_288 = arith.constant 1 : i32
          %sub3A_289 = arith.subi %div3A_268, %sub3A_288 : i32
          %select_n3A_290 = arith.select %and3A_287, %sub3A_289, %div3A_268 : i32
          %jit3A_291 = arith.constant 4 : i32
          %eq3A_292 = arith.constant 0 : i32
          %eq3A_293 = arith.cmpi eq, %jit3A_291, %eq3A_292 : i32
          %jit3A_294 = arith.constant 1 : i32
          %select_n3A_295 = arith.select %eq3A_293, %jit3A_294, %jit3A_291 : i32
          %rem3A_296 = arith.remsi %mul3A_2, %select_n3A_295 : i32
          %ne3A_297 = arith.constant 0 : i32
          %ne3A_298 = arith.cmpi ne, %rem3A_296, %ne3A_297 : i32
          %lt3A_299 = arith.constant 0 : i32
          %lt3A_300 = arith.cmpi slt, %rem3A_296, %lt3A_299 : i32
          %lt3A_301 = arith.constant 0 : i32
          %lt3A_302 = arith.cmpi slt, %select_n3A_295, %lt3A_301 : i32
          %ne3A_303 = arith.xori %lt3A_300, %lt3A_302 : i1
          %and3A_304 = arith.andi %ne3A_303, %ne3A_298 : i1
          %add3A_305 = arith.addi %rem3A_296, %select_n3A_295 : i32
          %select_n3A_306 = arith.select %and3A_304, %add3A_305, %rem3A_296 : i32
          %mul3A_307 = arith.constant 1024 : i32
          %mul3A_308 = arith.muli %select_n3A_306, %mul3A_307 : i32
          %dma_wait3A_309 = arith.constant 1 : i32
          %dma_wait3A_310 = arith.constant 0 : i32
          %dma_wait3A_311 = tpu.memref_slice %arg5[%dma_wait3A_309, %dma_wait3A_310] : memref<2x1024xi32, #tpu.memory_space<vmem>> -> memref<1x1024xi32, #tpu.memory_space<vmem>>
          %dma_wait3A_312 = tpu.memref_squeeze %dma_wait3A_311 : memref<1x1024xi32, #tpu.memory_space<vmem>> -> memref<1024xi32, #tpu.memory_space<vmem>>
          %dma_wait3A_313 = tpu.memref_slice %arg2[%select_n3A_290, %mul3A_308] : memref<200x4096xi32, #tpu.memory_space<hbm>> -> memref<1x1024xi32, #tpu.memory_space<hbm>>
          %dma_wait3A_314 = tpu.memref_squeeze %dma_wait3A_313 : memref<1x1024xi32, #tpu.memory_space<hbm>> -> memref<1024xi32, #tpu.memory_space<hbm>>
          %dma_wait3A_315 = arith.constant 0 : i32
          %dma_wait3A_316 = tpu.memref_slice %arg5[%dma_wait3A_309, %dma_wait3A_315] : memref<2x1024xi32, #tpu.memory_space<vmem>> -> memref<1x1024xi32, #tpu.memory_space<vmem>>
          %dma_wait3A_317 = tpu.memref_squeeze %dma_wait3A_316 : memref<1x1024xi32, #tpu.memory_space<vmem>> -> memref<1024xi32, #tpu.memory_space<vmem>>
          %dma_wait3A_318 = tpu.memref_slice %arg2[%select_n3A_290, %mul3A_308] : memref<200x4096xi32, #tpu.memory_space<hbm>> -> memref<1x1024xi32, #tpu.memory_space<hbm>>
          %dma_wait3A_319 = tpu.memref_squeeze %dma_wait3A_318 : memref<1x1024xi32, #tpu.memory_space<hbm>> -> memref<1024xi32, #tpu.memory_space<hbm>>
          tpu.wait_dma2 semaphore(%arg9 : memref<!tpu.dma_semaphore, #tpu.memory_space<semaphore_mem>>) src(%dma_wait3A_319 : memref<1024xi32, #tpu.memory_space<hbm>>) dst(%dma_wait3A_317 : memref<1024xi32, #tpu.memory_space<vmem>>)
          %dma_start3A_320 = arith.constant 1 : i32
          %dma_start3A_321 = arith.constant 0 : i32
          %dma_start3A_322 = tpu.memref_slice %arg5[%dma_start3A_320, %dma_start3A_321] : memref<2x1024xi32, #tpu.memory_space<vmem>> -> memref<1x1024xi32, #tpu.memory_space<vmem>>
          %dma_start3A_323 = tpu.memref_squeeze %dma_start3A_322 : memref<1x1024xi32, #tpu.memory_space<vmem>> -> memref<1024xi32, #tpu.memory_space<vmem>>
          %dma_start3A_324 = arith.constant 0 : i32
          %dma_start3A_325 = arith.constant 0 : i32
          %dma_start3A_326 = tpu.memref_slice %arg3[%dma_start3A_324, %dma_start3A_325] : memref<1000000x32xf32, #tpu.memory_space<hbm>> -> memref<1000000x32xf32, #tpu.memory_space<hbm>>
          tpu.enqueue_indirect_dma source(%dma_start3A_326 : memref<1000000x32xf32, #tpu.memory_space<hbm>>) target(%arg7 : memref<1024x32xf32, #tpu.memory_space<vmem>>) offsets(%dma_start3A_323 : memref<1024xi32, #tpu.memory_space<vmem>>) semaphore(%arg11 : memref<!tpu.dma_semaphore, #tpu.memory_space<semaphore_mem>>)
        } else {
        }
        %add3A_258 = arith.constant 2 : i32
        %add3A_259 = arith.addi %scan3A_184, %add3A_258 : i32
        %lt3A_260 = arith.constant 25 : i32
        %lt3A_261 = arith.cmpi slt, %add3A_259, %lt3A_260 : i32
        %convert_element_type3A_262 = arith.extui %lt3A_261 : i1 to i32
        %cond3A_263 = arith.constant 0 : i32
        %cond3A_264 = arith.cmpi ne, %convert_element_type3A_262, %cond3A_263 : i32
        scf.if %cond3A_264 {
          %dma_wait3A_265 = arith.constant 0 : i32
          %dma_wait3A_266 = arith.constant 0 : i32
          %dma_wait3A_267 = arith.constant 0 : i32
          %dma_wait3A_268 = tpu.memref_slice %arg4[%dma_wait3A_265, %dma_wait3A_266, %dma_wait3A_267] : memref<200x4096x32xf32, #tpu.memory_space<hbm>> -> memref<1x1024x32xf32, #tpu.memory_space<hbm>>
          %dma_wait3A_269 = tpu.memref_squeeze %dma_wait3A_268 : memref<1x1024x32xf32, #tpu.memory_space<hbm>> -> memref<1024x32xf32, #tpu.memory_space<hbm>>
          %dma_wait3A_270 = arith.constant 0 : i32
          %dma_wait3A_271 = arith.constant 0 : i32
          %dma_wait3A_272 = tpu.memref_slice %arg4[%dma_wait3A_265, %dma_wait3A_270, %dma_wait3A_271] : memref<200x4096x32xf32, #tpu.memory_space<hbm>> -> memref<1x1024x32xf32, #tpu.memory_space<hbm>>
          %dma_wait3A_273 = tpu.memref_squeeze %dma_wait3A_272 : memref<1x1024x32xf32, #tpu.memory_space<hbm>> -> memref<1024x32xf32, #tpu.memory_space<hbm>>
          tpu.wait_dma2 semaphore(%arg12 : memref<!tpu.dma_semaphore, #tpu.memory_space<semaphore_mem>>) src(%arg6 : memref<1024x32xf32, #tpu.memory_space<vmem>>) dst(%dma_wait3A_273 : memref<1024x32xf32, #tpu.memory_space<hbm>>)
          %add3A_274 = arith.constant 2 : i32
          %add3A_275 = arith.addi %scan3A_184, %add3A_274 : i32
          %add3A_276 = arith.addi %mul3A_2, %add3A_275 : i32
          %jit3A_277 = arith.constant 4 : i32
          %div3A_278 = arith.divsi %add3A_276, %jit3A_277 : i32
          %sign3A_279 = arith.constant 0 : i32
          %sign3A_280 = arith.cmpi sgt, %add3A_276, %sign3A_279 : i32
          %sign3A_281 = arith.extui %sign3A_280 : i1 to i32
          %sign3A_282 = arith.constant 0 : i32
          %sign3A_283 = arith.cmpi slt, %add3A_276, %sign3A_282 : i32
          %sign3A_284 = arith.extui %sign3A_283 : i1 to i32
          %sign3A_285 = arith.subi %sign3A_281, %sign3A_284 : i32
          %sign3A_286 = arith.constant 0 : i32
          %sign3A_287 = arith.cmpi sgt, %jit3A_277, %sign3A_286 : i32
          %sign3A_288 = arith.extui %sign3A_287 : i1 to i32
          %sign3A_289 = arith.constant 0 : i32
          %sign3A_290 = arith.cmpi slt, %jit3A_277, %sign3A_289 : i32
          %sign3A_291 = arith.extui %sign3A_290 : i1 to i32
          %sign3A_292 = arith.subi %sign3A_288, %sign3A_291 : i32
          %ne3A_293 = arith.cmpi ne, %sign3A_285, %sign3A_292 : i32
          %rem3A_294 = arith.remsi %add3A_276, %jit3A_277 : i32
          %ne3A_295 = arith.constant 0 : i32
          %ne3A_296 = arith.cmpi ne, %rem3A_294, %ne3A_295 : i32
          %and3A_297 = arith.andi %ne3A_293, %ne3A_296 : i1
          %sub3A_298 = arith.constant 1 : i32
          %sub3A_299 = arith.subi %div3A_278, %sub3A_298 : i32
          %select_n3A_300 = arith.select %and3A_297, %sub3A_299, %div3A_278 : i32
          %jit3A_301 = arith.constant 4 : i32
          %eq3A_302 = arith.constant 0 : i32
          %eq3A_303 = arith.cmpi eq, %jit3A_301, %eq3A_302 : i32
          %jit3A_304 = arith.constant 1 : i32
          %select_n3A_305 = arith.select %eq3A_303, %jit3A_304, %jit3A_301 : i32
          %rem3A_306 = arith.remsi %add3A_276, %select_n3A_305 : i32
          %ne3A_307 = arith.constant 0 : i32
          %ne3A_308 = arith.cmpi ne, %rem3A_306, %ne3A_307 : i32
          %lt3A_309 = arith.constant 0 : i32
          %lt3A_310 = arith.cmpi slt, %rem3A_306, %lt3A_309 : i32
          %lt3A_311 = arith.constant 0 : i32
          %lt3A_312 = arith.cmpi slt, %select_n3A_305, %lt3A_311 : i32
          %ne3A_313 = arith.xori %lt3A_310, %lt3A_312 : i1
          %and3A_314 = arith.andi %ne3A_313, %ne3A_308 : i1
          %add3A_315 = arith.addi %rem3A_306, %select_n3A_305 : i32
          %select_n3A_316 = arith.select %and3A_314, %add3A_315, %rem3A_306 : i32
          %mul3A_317 = arith.constant 1024 : i32
          %mul3A_318 = arith.muli %select_n3A_316, %mul3A_317 : i32
          %dma_start3A_319 = arith.constant 0 : i32
          %dma_start3A_320 = arith.constant 0 : i32
          %dma_start3A_321 = tpu.memref_slice %arg5[%dma_start3A_319, %dma_start3A_320] : memref<2x1024xi32, #tpu.memory_space<vmem>> -> memref<1x1024xi32, #tpu.memory_space<vmem>>
          %dma_start3A_322 = tpu.memref_squeeze %dma_start3A_321 : memref<1x1024xi32, #tpu.memory_space<vmem>> -> memref<1024xi32, #tpu.memory_space<vmem>>
          %dma_start3A_323 = tpu.memref_slice %arg2[%select_n3A_300, %mul3A_318] : memref<200x4096xi32, #tpu.memory_space<hbm>> -> memref<1x1024xi32, #tpu.memory_space<hbm>>
          %dma_start3A_324 = tpu.memref_squeeze %dma_start3A_323 : memref<1x1024xi32, #tpu.memory_space<hbm>> -> memref<1024xi32, #tpu.memory_space<hbm>>
          %dma_start3A_325 = arith.constant 0 : i32
          %dma_start3A_326 = tpu.memref_slice %arg5[%dma_start3A_319, %dma_start3A_325] : memref<2x1024xi32, #tpu.memory_space<vmem>> -> memref<1x1024xi32, #tpu.memory_space<vmem>>
          %dma_start3A_327 = tpu.memref_squeeze %dma_start3A_326 : memref<1x1024xi32, #tpu.memory_space<vmem>> -> memref<1024xi32, #tpu.memory_space<vmem>>
          %dma_start3A_328 = tpu.memref_slice %arg2[%select_n3A_300, %mul3A_318] : memref<200x4096xi32, #tpu.memory_space<hbm>> -> memref<1x1024xi32, #tpu.memory_space<hbm>>
          %dma_start3A_329 = tpu.memref_squeeze %dma_start3A_328 : memref<1x1024xi32, #tpu.memory_space<hbm>> -> memref<1024xi32, #tpu.memory_space<hbm>>
          tpu.enqueue_dma source(%dma_start3A_329 : memref<1024xi32, #tpu.memory_space<hbm>>) target(%dma_start3A_327 : memref<1024xi32, #tpu.memory_space<vmem>>) target_semaphore(%arg8 : memref<!tpu.dma_semaphore, #tpu.memory_space<semaphore_mem>>)
        } else {
        }
      } else {
      }
      %eq3A_190 = arith.constant 1 : i32
      %eq3A_191 = arith.cmpi eq, %rem3A_186, %eq3A_190 : i32
      %convert_element_type3A_192 = arith.extui %eq3A_191 : i1 to i32
      %cond3A_193 = arith.constant 0 : i32
      %cond3A_194 = arith.cmpi ne, %convert_element_type3A_192, %cond3A_193 : i32
      scf.if %cond3A_194 {
        %add3A_195 = arith.addi %mul3A_2, %scan3A_184 : i32
        %jit3A_196 = arith.constant 4 : i32
        %div3A_197 = arith.divsi %add3A_195, %jit3A_196 : i32
        %sign3A_198 = arith.constant 0 : i32
        %sign3A_199 = arith.cmpi sgt, %add3A_195, %sign3A_198 : i32
        %sign3A_200 = arith.extui %sign3A_199 : i1 to i32
        %sign3A_201 = arith.constant 0 : i32
        %sign3A_202 = arith.cmpi slt, %add3A_195, %sign3A_201 : i32
        %sign3A_203 = arith.extui %sign3A_202 : i1 to i32
        %sign3A_204 = arith.subi %sign3A_200, %sign3A_203 : i32
        %sign3A_205 = arith.constant 0 : i32
        %sign3A_206 = arith.cmpi sgt, %jit3A_196, %sign3A_205 : i32
        %sign3A_207 = arith.extui %sign3A_206 : i1 to i32
        %sign3A_208 = arith.constant 0 : i32
        %sign3A_209 = arith.cmpi slt, %jit3A_196, %sign3A_208 : i32
        %sign3A_210 = arith.extui %sign3A_209 : i1 to i32
        %sign3A_211 = arith.subi %sign3A_207, %sign3A_210 : i32
        %ne3A_212 = arith.cmpi ne, %sign3A_204, %sign3A_211 : i32
        %rem3A_213 = arith.remsi %add3A_195, %jit3A_196 : i32
        %ne3A_214 = arith.constant 0 : i32
        %ne3A_215 = arith.cmpi ne, %rem3A_213, %ne3A_214 : i32
        %and3A_216 = arith.andi %ne3A_212, %ne3A_215 : i1
        %sub3A_217 = arith.constant 1 : i32
        %sub3A_218 = arith.subi %div3A_197, %sub3A_217 : i32
        %select_n3A_219 = arith.select %and3A_216, %sub3A_218, %div3A_197 : i32
        %jit3A_220 = arith.constant 4 : i32
        %eq3A_221 = arith.constant 0 : i32
        %eq3A_222 = arith.cmpi eq, %jit3A_220, %eq3A_221 : i32
        %jit3A_223 = arith.constant 1 : i32
        %select_n3A_224 = arith.select %eq3A_222, %jit3A_223, %jit3A_220 : i32
        %rem3A_225 = arith.remsi %add3A_195, %select_n3A_224 : i32
        %ne3A_226 = arith.constant 0 : i32
        %ne3A_227 = arith.cmpi ne, %rem3A_225, %ne3A_226 : i32
        %lt3A_228 = arith.constant 0 : i32
        %lt3A_229 = arith.cmpi slt, %rem3A_225, %lt3A_228 : i32
        %lt3A_230 = arith.constant 0 : i32
        %lt3A_231 = arith.cmpi slt, %select_n3A_224, %lt3A_230 : i32
        %ne3A_232 = arith.xori %lt3A_229, %lt3A_231 : i1
        %and3A_233 = arith.andi %ne3A_232, %ne3A_227 : i1
        %add3A_234 = arith.addi %rem3A_225, %select_n3A_224 : i32
        %select_n3A_235 = arith.select %and3A_233, %add3A_234, %rem3A_225 : i32
        %dma_wait3A_236 = arith.constant 1 : i32
        %dma_wait3A_237 = arith.constant 0 : i32
        %dma_wait3A_238 = tpu.memref_slice %arg5[%dma_wait3A_236, %dma_wait3A_237] : memref<2x1024xi32, #tpu.memory_space<vmem>> -> memref<1x1024xi32, #tpu.memory_space<vmem>>
        %dma_wait3A_239 = tpu.memref_squeeze %dma_wait3A_238 : memref<1x1024xi32, #tpu.memory_space<vmem>> -> memref<1024xi32, #tpu.memory_space<vmem>>
        %dma_wait3A_240 = arith.constant 0 : i32
        %dma_wait3A_241 = arith.constant 0 : i32
        %dma_wait3A_242 = tpu.memref_slice %arg3[%dma_wait3A_240, %dma_wait3A_241] : memref<1000000x32xf32, #tpu.memory_space<hbm>> -> memref<1000000x32xf32, #tpu.memory_space<hbm>>
        tpu.wait_indirect_dma semaphore(%arg11 : memref<!tpu.dma_semaphore, #tpu.memory_space<semaphore_mem>>) src(%dma_wait3A_242 : memref<1000000x32xf32, #tpu.memory_space<hbm>>) dst(%arg7 : memref<1024x32xf32, #tpu.memory_space<vmem>>)
        %mul3A_243 = arith.constant 1024 : i32
        %mul3A_244 = arith.muli %select_n3A_235, %mul3A_243 : i32
        %dma_start3A_245 = arith.constant 0 : i32
        %dma_start3A_246 = tpu.memref_slice %arg4[%select_n3A_219, %mul3A_244, %dma_start3A_245] : memref<200x4096x32xf32, #tpu.memory_space<hbm>> -> memref<1x1024x32xf32, #tpu.memory_space<hbm>>
        %dma_start3A_247 = tpu.memref_squeeze %dma_start3A_246 : memref<1x1024x32xf32, #tpu.memory_space<hbm>> -> memref<1024x32xf32, #tpu.memory_space<hbm>>
        %dma_start3A_248 = arith.constant 0 : i32
        %dma_start3A_249 = tpu.memref_slice %arg4[%select_n3A_219, %mul3A_244, %dma_start3A_248] : memref<200x4096x32xf32, #tpu.memory_space<hbm>> -> memref<1x1024x32xf32, #tpu.memory_space<hbm>>
        %dma_start3A_250 = tpu.memref_squeeze %dma_start3A_249 : memref<1x1024x32xf32, #tpu.memory_space<hbm>> -> memref<1024x32xf32, #tpu.memory_space<hbm>>
        tpu.enqueue_dma source(%arg7 : memref<1024x32xf32, #tpu.memory_space<vmem>>) target(%dma_start3A_250 : memref<1024x32xf32, #tpu.memory_space<hbm>>) target_semaphore(%arg13 : memref<!tpu.dma_semaphore, #tpu.memory_space<semaphore_mem>>)
        %add3A_251 = arith.constant 1 : i32
        %add3A_252 = arith.addi %scan3A_184, %add3A_251 : i32
        %lt3A_253 = arith.constant 25 : i32
        %lt3A_254 = arith.cmpi slt, %add3A_252, %lt3A_253 : i32
        %convert_element_type3A_255 = arith.extui %lt3A_254 : i1 to i32
        %cond3A_256 = arith.constant 0 : i32
        %cond3A_257 = arith.cmpi ne, %convert_element_type3A_255, %cond3A_256 : i32
        scf.if %cond3A_257 {
          %add3A_265 = arith.constant 1 : i32
          %add3A_266 = arith.addi %scan3A_184, %add3A_265 : i32
          %jit3A_267 = arith.constant 4 : i32
          %div3A_268 = arith.divsi %mul3A_2, %jit3A_267 : i32
          %sign3A_269 = arith.constant 0 : i32
          %sign3A_270 = arith.cmpi sgt, %mul3A_2, %sign3A_269 : i32
          %sign3A_271 = arith.extui %sign3A_270 : i1 to i32
          %sign3A_272 = arith.constant 0 : i32
          %sign3A_273 = arith.cmpi slt, %mul3A_2, %sign3A_272 : i32
          %sign3A_274 = arith.extui %sign3A_273 : i1 to i32
          %sign3A_275 = arith.subi %sign3A_271, %sign3A_274 : i32
          %sign3A_276 = arith.constant 0 : i32
          %sign3A_277 = arith.cmpi sgt, %jit3A_267, %sign3A_276 : i32
          %sign3A_278 = arith.extui %sign3A_277 : i1 to i32
          %sign3A_279 = arith.constant 0 : i32
          %sign3A_280 = arith.cmpi slt, %jit3A_267, %sign3A_279 : i32
          %sign3A_281 = arith.extui %sign3A_280 : i1 to i32
          %sign3A_282 = arith.subi %sign3A_278, %sign3A_281 : i32
          %ne3A_283 = arith.cmpi ne, %sign3A_275, %sign3A_282 : i32
          %rem3A_284 = arith.remsi %mul3A_2, %jit3A_267 : i32
          %ne3A_285 = arith.constant 0 : i32
          %ne3A_286 = arith.cmpi ne, %rem3A_284, %ne3A_285 : i32
          %and3A_287 = arith.andi %ne3A_283, %ne3A_286 : i1
          %sub3A_288 = arith.constant 1 : i32
          %sub3A_289 = arith.subi %div3A_268, %sub3A_288 : i32
          %select_n3A_290 = arith.select %and3A_287, %sub3A_289, %div3A_268 : i32
          %jit3A_291 = arith.constant 4 : i32
          %eq3A_292 = arith.constant 0 : i32
          %eq3A_293 = arith.cmpi eq, %jit3A_291, %eq3A_292 : i32
          %jit3A_294 = arith.constant 1 : i32
          %select_n3A_295 = arith.select %eq3A_293, %jit3A_294, %jit3A_291 : i32
          %rem3A_296 = arith.remsi %mul3A_2, %select_n3A_295 : i32
          %ne3A_297 = arith.constant 0 : i32
          %ne3A_298 = arith.cmpi ne, %rem3A_296, %ne3A_297 : i32
          %lt3A_299 = arith.constant 0 : i32
          %lt3A_300 = arith.cmpi slt, %rem3A_296, %lt3A_299 : i32
          %lt3A_301 = arith.constant 0 : i32
          %lt3A_302 = arith.cmpi slt, %select_n3A_295, %lt3A_301 : i32
          %ne3A_303 = arith.xori %lt3A_300, %lt3A_302 : i1
          %and3A_304 = arith.andi %ne3A_303, %ne3A_298 : i1
          %add3A_305 = arith.addi %rem3A_296, %select_n3A_295 : i32
          %select_n3A_306 = arith.select %and3A_304, %add3A_305, %rem3A_296 : i32
          %mul3A_307 = arith.constant 1024 : i32
          %mul3A_308 = arith.muli %select_n3A_306, %mul3A_307 : i32
          %dma_wait3A_309 = arith.constant 0 : i32
          %dma_wait3A_310 = arith.constant 0 : i32
          %dma_wait3A_311 = tpu.memref_slice %arg5[%dma_wait3A_309, %dma_wait3A_310] : memref<2x1024xi32, #tpu.memory_space<vmem>> -> memref<1x1024xi32, #tpu.memory_space<vmem>>
          %dma_wait3A_312 = tpu.memref_squeeze %dma_wait3A_311 : memref<1x1024xi32, #tpu.memory_space<vmem>> -> memref<1024xi32, #tpu.memory_space<vmem>>
          %dma_wait3A_313 = tpu.memref_slice %arg2[%select_n3A_290, %mul3A_308] : memref<200x4096xi32, #tpu.memory_space<hbm>> -> memref<1x1024xi32, #tpu.memory_space<hbm>>
          %dma_wait3A_314 = tpu.memref_squeeze %dma_wait3A_313 : memref<1x1024xi32, #tpu.memory_space<hbm>> -> memref<1024xi32, #tpu.memory_space<hbm>>
          %dma_wait3A_315 = arith.constant 0 : i32
          %dma_wait3A_316 = tpu.memref_slice %arg5[%dma_wait3A_309, %dma_wait3A_315] : memref<2x1024xi32, #tpu.memory_space<vmem>> -> memref<1x1024xi32, #tpu.memory_space<vmem>>
          %dma_wait3A_317 = tpu.memref_squeeze %dma_wait3A_316 : memref<1x1024xi32, #tpu.memory_space<vmem>> -> memref<1024xi32, #tpu.memory_space<vmem>>
          %dma_wait3A_318 = tpu.memref_slice %arg2[%select_n3A_290, %mul3A_308] : memref<200x4096xi32, #tpu.memory_space<hbm>> -> memref<1x1024xi32, #tpu.memory_space<hbm>>
          %dma_wait3A_319 = tpu.memref_squeeze %dma_wait3A_318 : memref<1x1024xi32, #tpu.memory_space<hbm>> -> memref<1024xi32, #tpu.memory_space<hbm>>
          tpu.wait_dma2 semaphore(%arg8 : memref<!tpu.dma_semaphore, #tpu.memory_space<semaphore_mem>>) src(%dma_wait3A_319 : memref<1024xi32, #tpu.memory_space<hbm>>) dst(%dma_wait3A_317 : memref<1024xi32, #tpu.memory_space<vmem>>)
          %dma_start3A_320 = arith.constant 0 : i32
          %dma_start3A_321 = arith.constant 0 : i32
          %dma_start3A_322 = tpu.memref_slice %arg5[%dma_start3A_320, %dma_start3A_321] : memref<2x1024xi32, #tpu.memory_space<vmem>> -> memref<1x1024xi32, #tpu.memory_space<vmem>>
          %dma_start3A_323 = tpu.memref_squeeze %dma_start3A_322 : memref<1x1024xi32, #tpu.memory_space<vmem>> -> memref<1024xi32, #tpu.memory_space<vmem>>
          %dma_start3A_324 = arith.constant 0 : i32
          %dma_start3A_325 = arith.constant 0 : i32
          %dma_start3A_326 = tpu.memref_slice %arg3[%dma_start3A_324, %dma_start3A_325] : memref<1000000x32xf32, #tpu.memory_space<hbm>> -> memref<1000000x32xf32, #tpu.memory_space<hbm>>
          tpu.enqueue_indirect_dma source(%dma_start3A_326 : memref<1000000x32xf32, #tpu.memory_space<hbm>>) target(%arg6 : memref<1024x32xf32, #tpu.memory_space<vmem>>) offsets(%dma_start3A_323 : memref<1024xi32, #tpu.memory_space<vmem>>) semaphore(%arg10 : memref<!tpu.dma_semaphore, #tpu.memory_space<semaphore_mem>>)
        } else {
        }
        %add3A_258 = arith.constant 2 : i32
        %add3A_259 = arith.addi %scan3A_184, %add3A_258 : i32
        %lt3A_260 = arith.constant 25 : i32
        %lt3A_261 = arith.cmpi slt, %add3A_259, %lt3A_260 : i32
        %convert_element_type3A_262 = arith.extui %lt3A_261 : i1 to i32
        %cond3A_263 = arith.constant 0 : i32
        %cond3A_264 = arith.cmpi ne, %convert_element_type3A_262, %cond3A_263 : i32
        scf.if %cond3A_264 {
          %dma_wait3A_265 = arith.constant 0 : i32
          %dma_wait3A_266 = arith.constant 0 : i32
          %dma_wait3A_267 = arith.constant 0 : i32
          %dma_wait3A_268 = tpu.memref_slice %arg4[%dma_wait3A_265, %dma_wait3A_266, %dma_wait3A_267] : memref<200x4096x32xf32, #tpu.memory_space<hbm>> -> memref<1x1024x32xf32, #tpu.memory_space<hbm>>
          %dma_wait3A_269 = tpu.memref_squeeze %dma_wait3A_268 : memref<1x1024x32xf32, #tpu.memory_space<hbm>> -> memref<1024x32xf32, #tpu.memory_space<hbm>>
          %dma_wait3A_270 = arith.constant 0 : i32
          %dma_wait3A_271 = arith.constant 0 : i32
          %dma_wait3A_272 = tpu.memref_slice %arg4[%dma_wait3A_265, %dma_wait3A_270, %dma_wait3A_271] : memref<200x4096x32xf32, #tpu.memory_space<hbm>> -> memref<1x1024x32xf32, #tpu.memory_space<hbm>>
          %dma_wait3A_273 = tpu.memref_squeeze %dma_wait3A_272 : memref<1x1024x32xf32, #tpu.memory_space<hbm>> -> memref<1024x32xf32, #tpu.memory_space<hbm>>
          tpu.wait_dma2 semaphore(%arg13 : memref<!tpu.dma_semaphore, #tpu.memory_space<semaphore_mem>>) src(%arg7 : memref<1024x32xf32, #tpu.memory_space<vmem>>) dst(%dma_wait3A_273 : memref<1024x32xf32, #tpu.memory_space<hbm>>)
          %add3A_274 = arith.constant 2 : i32
          %add3A_275 = arith.addi %scan3A_184, %add3A_274 : i32
          %add3A_276 = arith.addi %mul3A_2, %add3A_275 : i32
          %jit3A_277 = arith.constant 4 : i32
          %div3A_278 = arith.divsi %add3A_276, %jit3A_277 : i32
          %sign3A_279 = arith.constant 0 : i32
          %sign3A_280 = arith.cmpi sgt, %add3A_276, %sign3A_279 : i32
          %sign3A_281 = arith.extui %sign3A_280 : i1 to i32
          %sign3A_282 = arith.constant 0 : i32
          %sign3A_283 = arith.cmpi slt, %add3A_276, %sign3A_282 : i32
          %sign3A_284 = arith.extui %sign3A_283 : i1 to i32
          %sign3A_285 = arith.subi %sign3A_281, %sign3A_284 : i32
          %sign3A_286 = arith.constant 0 : i32
          %sign3A_287 = arith.cmpi sgt, %jit3A_277, %sign3A_286 : i32
          %sign3A_288 = arith.extui %sign3A_287 : i1 to i32
          %sign3A_289 = arith.constant 0 : i32
          %sign3A_290 = arith.cmpi slt, %jit3A_277, %sign3A_289 : i32
          %sign3A_291 = arith.extui %sign3A_290 : i1 to i32
          %sign3A_292 = arith.subi %sign3A_288, %sign3A_291 : i32
          %ne3A_293 = arith.cmpi ne, %sign3A_285, %sign3A_292 : i32
          %rem3A_294 = arith.remsi %add3A_276, %jit3A_277 : i32
          %ne3A_295 = arith.constant 0 : i32
          %ne3A_296 = arith.cmpi ne, %rem3A_294, %ne3A_295 : i32
          %and3A_297 = arith.andi %ne3A_293, %ne3A_296 : i1
          %sub3A_298 = arith.constant 1 : i32
          %sub3A_299 = arith.subi %div3A_278, %sub3A_298 : i32
          %select_n3A_300 = arith.select %and3A_297, %sub3A_299, %div3A_278 : i32
          %jit3A_301 = arith.constant 4 : i32
          %eq3A_302 = arith.constant 0 : i32
          %eq3A_303 = arith.cmpi eq, %jit3A_301, %eq3A_302 : i32
          %jit3A_304 = arith.constant 1 : i32
          %select_n3A_305 = arith.select %eq3A_303, %jit3A_304, %jit3A_301 : i32
          %rem3A_306 = arith.remsi %add3A_276, %select_n3A_305 : i32
          %ne3A_307 = arith.constant 0 : i32
          %ne3A_308 = arith.cmpi ne, %rem3A_306, %ne3A_307 : i32
          %lt3A_309 = arith.constant 0 : i32
          %lt3A_310 = arith.cmpi slt, %rem3A_306, %lt3A_309 : i32
          %lt3A_311 = arith.constant 0 : i32
          %lt3A_312 = arith.cmpi slt, %select_n3A_305, %lt3A_311 : i32
          %ne3A_313 = arith.xori %lt3A_310, %lt3A_312 : i1
          %and3A_314 = arith.andi %ne3A_313, %ne3A_308 : i1
          %add3A_315 = arith.addi %rem3A_306, %select_n3A_305 : i32
          %select_n3A_316 = arith.select %and3A_314, %add3A_315, %rem3A_306 : i32
          %mul3A_317 = arith.constant 1024 : i32
          %mul3A_318 = arith.muli %select_n3A_316, %mul3A_317 : i32
          %dma_start3A_319 = arith.constant 1 : i32
          %dma_start3A_320 = arith.constant 0 : i32
          %dma_start3A_321 = tpu.memref_slice %arg5[%dma_start3A_319, %dma_start3A_320] : memref<2x1024xi32, #tpu.memory_space<vmem>> -> memref<1x1024xi32, #tpu.memory_space<vmem>>
          %dma_start3A_322 = tpu.memref_squeeze %dma_start3A_321 : memref<1x1024xi32, #tpu.memory_space<vmem>> -> memref<1024xi32, #tpu.memory_space<vmem>>
          %dma_start3A_323 = tpu.memref_slice %arg2[%select_n3A_300, %mul3A_318] : memref<200x4096xi32, #tpu.memory_space<hbm>> -> memref<1x1024xi32, #tpu.memory_space<hbm>>
          %dma_start3A_324 = tpu.memref_squeeze %dma_start3A_323 : memref<1x1024xi32, #tpu.memory_space<hbm>> -> memref<1024xi32, #tpu.memory_space<hbm>>
          %dma_start3A_325 = arith.constant 0 : i32
          %dma_start3A_326 = tpu.memref_slice %arg5[%dma_start3A_319, %dma_start3A_325] : memref<2x1024xi32, #tpu.memory_space<vmem>> -> memref<1x1024xi32, #tpu.memory_space<vmem>>
          %dma_start3A_327 = tpu.memref_squeeze %dma_start3A_326 : memref<1x1024xi32, #tpu.memory_space<vmem>> -> memref<1024xi32, #tpu.memory_space<vmem>>
          %dma_start3A_328 = tpu.memref_slice %arg2[%select_n3A_300, %mul3A_318] : memref<200x4096xi32, #tpu.memory_space<hbm>> -> memref<1x1024xi32, #tpu.memory_space<hbm>>
          %dma_start3A_329 = tpu.memref_squeeze %dma_start3A_328 : memref<1x1024xi32, #tpu.memory_space<hbm>> -> memref<1024xi32, #tpu.memory_space<hbm>>
          tpu.enqueue_dma source(%dma_start3A_329 : memref<1024xi32, #tpu.memory_space<hbm>>) target(%dma_start3A_327 : memref<1024xi32, #tpu.memory_space<vmem>>) target_semaphore(%arg9 : memref<!tpu.dma_semaphore, #tpu.memory_space<semaphore_mem>>)
        } else {
        }
      } else {
      }
    }
    %scan3A_165 = arith.constant 25 : i32
    %dma_wait3A_166 = arith.constant 0 : i32
    %dma_wait3A_167 = arith.constant 0 : i32
    %dma_wait3A_168 = arith.constant 0 : i32
    %dma_wait3A_169 = tpu.memref_slice %arg4[%dma_wait3A_166, %dma_wait3A_167, %dma_wait3A_168] : memref<200x4096x32xf32, #tpu.memory_space<hbm>> -> memref<1x1024x32xf32, #tpu.memory_space<hbm>>
    %dma_wait3A_170 = tpu.memref_squeeze %dma_wait3A_169 : memref<1x1024x32xf32, #tpu.memory_space<hbm>> -> memref<1024x32xf32, #tpu.memory_space<hbm>>
    %dma_wait3A_171 = arith.constant 0 : i32
    %dma_wait3A_172 = arith.constant 0 : i32
    %dma_wait3A_173 = tpu.memref_slice %arg4[%dma_wait3A_166, %dma_wait3A_171, %dma_wait3A_172] : memref<200x4096x32xf32, #tpu.memory_space<hbm>> -> memref<1x1024x32xf32, #tpu.memory_space<hbm>>
    %dma_wait3A_174 = tpu.memref_squeeze %dma_wait3A_173 : memref<1x1024x32xf32, #tpu.memory_space<hbm>> -> memref<1024x32xf32, #tpu.memory_space<hbm>>
    tpu.wait_dma2 semaphore(%arg12 : memref<!tpu.dma_semaphore, #tpu.memory_space<semaphore_mem>>) src(%arg6 : memref<1024x32xf32, #tpu.memory_space<vmem>>) dst(%dma_wait3A_174 : memref<1024x32xf32, #tpu.memory_space<hbm>>)
    %dma_wait3A_175 = arith.constant 0 : i32
    %dma_wait3A_176 = arith.constant 0 : i32
    %dma_wait3A_177 = arith.constant 0 : i32
    %dma_wait3A_178 = tpu.memref_slice %arg4[%dma_wait3A_175, %dma_wait3A_176, %dma_wait3A_177] : memref<200x4096x32xf32, #tpu.memory_space<hbm>> -> memref<1x1024x32xf32, #tpu.memory_space<hbm>>
    %dma_wait3A_179 = tpu.memref_squeeze %dma_wait3A_178 : memref<1x1024x32xf32, #tpu.memory_space<hbm>> -> memref<1024x32xf32, #tpu.memory_space<hbm>>
    %dma_wait3A_180 = arith.constant 0 : i32
    %dma_wait3A_181 = arith.constant 0 : i32
    %dma_wait3A_182 = tpu.memref_slice %arg4[%dma_wait3A_175, %dma_wait3A_180, %dma_wait3A_181] : memref<200x4096x32xf32, #tpu.memory_space<hbm>> -> memref<1x1024x32xf32, #tpu.memory_space<hbm>>
    %dma_wait3A_183 = tpu.memref_squeeze %dma_wait3A_182 : memref<1x1024x32xf32, #tpu.memory_space<hbm>> -> memref<1024x32xf32, #tpu.memory_space<hbm>>
    tpu.wait_dma2 semaphore(%arg13 : memref<!tpu.dma_semaphore, #tpu.memory_space<semaphore_mem>>) src(%arg7 : memref<1024x32xf32, #tpu.memory_space<vmem>>) dst(%dma_wait3A_183 : memref<1024x32xf32, #tpu.memory_space<hbm>>)
    return
  }
}

</mosaic_0001>

<sc_bundles>
// kernel: kernel.3.cloned.1.call-start
scs
__scs_entry_jumppad:
0x0: {  	(pc) =	sbr.rel $0x88, $3  }
0x1: {  	(tag) =	ssettag $0x0;
	lr =	simm.s32 $0x1  }
0x2: {  	[smem:$0x3F9F] =	sst lr;
	_ =	strace $0xD0000000  }
0x3: {  	_ = 	snop  }
0x4: {  	_ = 	snop  }
0x5: {  	_ = 	snop  }
0x6: {  	_ = 	snop  }
0x7: {  	_ = 	snop  }
__scs_overlays_trampoline_lowered:
0x8: {  	[smem:$0x3FAE] =	sst s0  }
0x9: {  	[smem:$0x3FAF] =	sst s1  }
0xa: {  	[smem:$0x3FB0] =	sst s2  }
0xb: {  	[smem:$0x3FB1] =	sst s3  }
0xc: {  	[smem:$0x3FB2] =	sst s4  }
0xd: {  	[smem:$0x3FB3] =	sst s5  }
0xe: {  	[smem:$0x3FB4] =	sst s6  }
0xf: {  	[smem:$0x3FB5] =	sst s7  }
0x10: {  	[smem:$0x3FB6] =	sst s8  }
0x11: {  	[smem:$0x3FB7] =	sst s9;
	s0 =	simm.s32 @!p0 $0x0  }
0x12: {  	s1 =	sld [smem:$0x3F9D];
	s0 =	simm.s32 @p0 $0x1  }
0x13: {  	[smem:$0x3FB8] =	sst s0;
	s0 =	simm.s32 @!p1 $0x0  }
0x14: {  	s2 =	sld [smem:$0x3F9C];
	s0 =	simm.s32 @p1 $0x1  }
0x15: {  	[smem:$0x3FB9] =	sst s0;
	s0 =	simm.s32 @!p2 $0x0  }
0x16: {  	s3 =	sld [smem:$0x3FDB];
	s0 =	simm.s32 @p2 $0x1  }
0x17: {  	s4 =	simm.s32 $0x1BF5;
	[smem:$0x3FBB] =	sst s0  }
0x18: {  	s0 =	sld [smem:$0x3F9E];
	_ =	swait.ge [sflag:s4], $0x0  }
0x19: {  	s7 =	sld [smem:$0x3F9F]  }
0x1a: {  	s8 =	sadd.s32 $0xFFFFE003, lr  }
0x1b: {  	s9 =	sadd.s32 $0xFFFFFEF7, lr;
	s5 =	simm.s32 $0xFFFFFFFF;
	p2 =	slt.u32 s8, $0xFFFFF086  }
0x1c: {  	p1 =	slt.u32 s9, $0xF7A;
	s5 =	simm.s32 @!p2 $0x0  }
0x1d: {  	s5 =	simm.s32 @p1 $0x1;
	p0 =	seq.s32 s7, s2  }
0x1e: {  	s7 =	smul.u32 @!p0 $0xF7A, s2;
	p2 =	seq.s32 @!p0 s5, $0x0  }
0x1f: {  	s9 =	smul.u32 $0xF7A, s1;
	s8 =	simm.s32 @!p0 $0x1BF5;
	p2 =	por !p2, p0  }
0x20: {  	[sflag:s8] =	ssyncset.s32 @!p0 $0xFFFFF086;
	s6 =	sadd.s32 @!p0 s3, s7;
	s7 =	simm.s32 @!p0 $0x108  }
0x21: {  	s3 =	sadd.s32 s3, s9;
	s6 =	sadd.s32 @!p0 $0x88, s6;
	s7 =	simm.s32 @p2 $0x1082  }
0x22: {  	[simem:s7], [sflag:s8] =	dma.local @!p0 [hbm:s6], $0xF7A  }
0x23: {  	s9 =	sor.u32 $0xD0000000, s2;
	s6 =	simm.s32 $0x108;
	_ =	swait.ge @!p0 [sflag:s8], $0x0  }
0x24: {  	s3 =	sadd.s32 $0x88, s3;
	s6 =	simm.s32 @!p1 $0x1082;
	[sflag:s4] =	ssyncset.s32 $0xFFFFF086  }
0x25: {  	[simem:s6], [sflag:s4] =	dma.local [hbm:s3], $0xF7A  }
0x26: {  	[smem:$0x3F9F] =	sst s1;
	(tag) =	ssettag s2;
	_ =	strace s9  }
0x27: {  	s1 =	sld [smem:$0x3FAF]  }
0x28: {  	s2 =	sld [smem:$0x3FB0]  }
0x29: {  	s4 =	sld [smem:$0x3FB2]  }
0x2a: {  	p0 =	seq.s32 s5, $0x0;
	s5 =	sld [smem:$0x3FB3]  }
0x2b: {  	s6 =	sld [smem:$0x3FB4]  }
0x2c: {  	s7 =	sld [smem:$0x3FB5]  }
0x2d: {  	s3 =	simm.s32 $0x108;
	s8 =	sld [smem:$0x3FB6]  }
0x2e: {  	s3 =	simm.s32 @!p0 $0x1082;
	s9 =	sld [smem:$0x3FB7]  }
0x2f: {  	lr =	sadd.s32 s0, s3;
	s0 =	sld [smem:$0x3FAE]  }
0x30: {  	s3 =	sld [smem:$0x3FB1]  }
0x31: {  	[smem:$0x3FBA] =	sst s10  }
0x32: {  	s10 =	sld [smem:$0x3FB8];
	_ =	sdelay $0x3  }
0x33: {  	p0 =	seq.s32 s10, $0x1;
	s10 =	sld [smem:$0x3FBA];
	_ =	sdelay $0x3  }
0x34: {  	[smem:$0x3FBA] =	sst s10  }
0x35: {  	s10 =	sld [smem:$0x3FB9];
	_ =	sdelay $0x3  }
0x36: {  	p1 =	seq.s32 s10, $0x1;
	s10 =	sld [smem:$0x3FBA];
	_ =	sdelay $0x3  }
0x37: {  	[smem:$0x3FBA] =	sst s10  }
0x38: {  	s10 =	sld [smem:$0x3FBB]  }
0x39: {  	_ = 	snop;
	(pc) =	sbr.ind lr, $3  }
0x3a: {  	_ = 	snop  }
0x3b: {  	_ = 	snop  }
0x3c: {  	p2 =	seq.s32 s10, $0x1;
	s10 =	sld [smem:$0x3FBA]  }
0x3d: {  	_ =	shalt  }
0x3e: {  	_ =	shalt  }
0x3f: {  	_ =	shalt  }
0x40: {  	_ =	shalt  }
0x41: {  	_ =	shalt  }
0x42: {  	_ =	shalt  }
0x43: {  	_ =	shalt  }
0x44: {  	_ =	shalt  }
0x45: {  	_ =	shalt  }
0x46: {  	_ =	shalt  }
0x47: {  	_ =	shalt  }
0x48: {  	_ =	shalt  }
0x49: {  	_ =	shalt  }
0x4a: {  	_ =	shalt  }
0x4b: {  	_ =	shalt  }
0x4c: {  	_ =	shalt  }
0x4d: {  	_ =	shalt  }
0x4e: {  	_ =	shalt  }
0x4f: {  	_ =	shalt  }
0x50: {  	_ =	shalt  }
0x51: {  	_ =	shalt  }
0x52: {  	_ =	shalt  }
0x53: {  	_ =	shalt  }
0x54: {  	_ =	shalt  }
0x55: {  	_ =	shalt  }
0x56: {  	_ =	shalt  }
0x57: {  	_ =	shalt  }
0x58: {  	_ =	shalt  }
0x59: {  	_ =	shalt  }
0x5a: {  	_ =	shalt  }
0x5b: {  	_ =	shalt  }
0x5c: {  	_ =	shalt  }
0x5d: {  	_ =	shalt  }
0x5e: {  	_ =	shalt  }
0x5f: {  	_ =	shalt  }
0x60: {  	_ =	shalt  }
0x61: {  	_ =	shalt  }
0x62: {  	_ =	shalt  }
0x63: {  	_ =	shalt  }
0x64: {  	_ =	shalt  }
0x65: {  	_ =	shalt  }
0x66: {  	_ =	shalt  }
0x67: {  	_ =	shalt  }
0x68: {  	_ =	shalt  }
0x69: {  	_ =	shalt  }
0x6a: {  	_ =	shalt  }
0x6b: {  	_ =	shalt  }
0x6c: {  	_ =	shalt  }
0x6d: {  	_ =	shalt  }
0x6e: {  	_ =	shalt  }
0x6f: {  	_ =	shalt  }
0x70: {  	_ =	shalt  }
0x71: {  	_ =	shalt  }
0x72: {  	_ =	shalt  }
0x73: {  	_ =	shalt  }
0x74: {  	_ =	shalt  }
0x75: {  	_ =	shalt  }
0x76: {  	_ =	shalt  }
0x77: {  	_ =	shalt  }
0x78: {  	_ =	shalt  }
0x79: {  	_ =	shalt  }
0x7a: {  	_ =	shalt  }
0x7b: {  	_ =	shalt  }
0x7c: {  	_ =	shalt  }
0x7d: {  	_ =	shalt  }
0x7e: {  	_ =	shalt  }
0x7f: {  	_ =	shalt  }
0x80: {  	_ =	shalt  }
0x81: {  	_ =	shalt  }
0x82: {  	_ =	shalt  }
0x83: {  	_ =	shalt  }
0x84: {  	_ =	shalt  }
0x85: {  	_ =	shalt  }
0x86: {  	_ =	shalt  }
0x87: {  	_ =	shalt  }
.Lfunc_end0:
.L_simem_size_0:
called_computation.1_lowered:
.L_overlay_start_0:
0x88: {  	s2 =	sld [smem:$0x3FD9]  }
0x89: {  	s3 =	sld [smem:$0x3FFE];
	_ =	sdelay $0x1  }
0x8a: {  	s1 =	srdreg.scid  }
0x8b: {  	s0 =	sand.u32 $0x1, s1  }
0x8c: {  	s17 =	sshll.u32 s0, $0xA;
	s2 =	sadd.s32 s3, s2  }
0x8d: {  	s2 =	sadd.s32 s2, s17  }
0x8e: {  	[smem:$0x3FC6] =	sst s2  }
0x8f: {  	_ = 	snop  }
0x90: {  	s2 =	sld [smem:$0x3FD0];
	(tm) =	ssettm $0x1  }
0x91: {  	s18 =	sld [smem:$0x3FFB];
	_ =	sdelay $0x3  }
0x92: {  	_ =	strace s18  }
0x93: {  	s3 =	sld [smem:$0x3FFC];
	_ =	sdelay $0x3  }
0x94: {  	_ =	strace s3  }
0x95: {  	s3 =	sld [smem:$0x3FFD];
	_ =	sdelay $0x3  }
0x96: {  	_ =	strace s3  }
0x97: {  	_ =	strace $0x8FFFFFFF  }
0x98: {  	s19 =	sld [smem:$0x3FDB];
	_ =	sdelay $0x1  }
0x99: {  	s4 =	simm.s32 $_scs_section_size  }
0x9a: {  	s5 =	simm.s32 $_size__tile_overlayer_lowered;
	s6 =	simm.s32 $_tile_overlayer_lowered  }
0x9b: {  	s22 =	simm.s32 $0x1BFF;
	s21 =	sshll.u32 s6, $0x1;
	s3 =	sadd.s32 s4, s19  }
0x9c: {  	s7 =	simm.s32 $0x0;
	s20 =	sshll.u32 s5, $0x1;
	s5 =	sadd.s32 s21, s3  }
0x9d: {  	[timem:s7], [sflag:s22] =	dma.local [hbm:s5], s20  }
0x9e: {  	_ =	swait.ge [sflag:s22], s20  }
0x9f: {  	s4 =	ssub.s32 $0x0, s20;
	[sflag:s22] =	ssyncset.done $0x0  }
0xa0: {  	[sflag:s22] =	ssyncadd.s32 s4;
	_ =	sdelay $0x1  }
0xa1: {  	s23 =	simm.s32 $0x1B8B  }
0xa2: {  	_ =	swait.ge [sflag:s23], $0x1  }
0xa3: {  	[sflag:s23] =	ssyncset.done $0x0  }
0xa4: {  	s25 =	simm.s32 $0x1B8E;
	s24 =	sld [smem:$0x3FFE];
	[sflag:s23] =	ssyncadd.s32 $0xFFFFFFFF  }
0xa5: {  	s26 =	simm.s32 $execute0_lowered;
	[smem:$0x3FD2] =	sst s25  }
0xa6: {  	s5 =	sshll.u32 s26, $0x1;
	_ =	strace $0x80000046;
	[dreg:$0x1] =	wrdreg $0xFFFFFFFF  }
0xa7: {  	s28 =	simm.s32 $_size_execute0_lowered;
	s3 =	sadd.s32 s3, s5;
	[dreg:$0x0] =	wrdreg $0x0  }
0xa8: {  	s5 =	sshll.u32 s28, $0x1;
	[dreg:$0x2] =	wrdreg s3  }
0xa9: {  	[dreg:$0x3] =	wrdreg s5  }
0xaa: {  	[dreg:$0x4] =	wrdreg $0xC0  }
0xab: {  	_ =	task [dreg:s7], $0x5FFFF  }
0xac: {  	[dreg:$0x1] =	wrdreg $0xFFFFFFFF  }
0xad: {  	[dreg:$0x0] =	wrdreg $0x60  }
0xae: {  	[dreg:$0x2] =	wrdreg s24  }
0xaf: {  	[dreg:$0x3] =	wrdreg s2  }
0xb0: {  	[dreg:$0x4] =	wrdreg $0x9  }
0xb1: {  	_ =	task.clear_ibuf [dreg:s7], $0x5FFFF;
	_ =	strace $0x90000046  }
0xb2: {  	s29 =	simm.s32 $0x9;
	_ =	strace $0x80000048  }
0xb3: {  	_ =	swait.ge [sflag:s29], $0x1  }
0xb4: {  	[sflag:s29] =	ssyncadd.s32 $0xFFFFFFFF  }
0xb5: {  	_ =	strace $0x90000048  }
0xb6: {  	_ =	sfence  }
0xb7: {  	s30 =	sld [smem:$0x0];
	_ =	sdelay $0x2  }
0xb8: {  	s31 =	sshll.u32 s1, $0xD;
	s1 =	sshrl.u32 s1, $0x2  }
0xb9: {  	s3 =	sand.u32 $0x4000, s31;
	s1 =	sadd.s32 s1, s30  }
0xba: {  	s0 =	sor.u32 s3, s0;
	s1 =	sshll.u32 s1, $0x11  }
0xbb: {  	s0 =	sor.u32 s1, s0  }
0xbc: {  	s0 =	sadd.s32 $0x8F2B, s0  }
0xbd: {  	[sflag:s0] =	ssyncadd.remote.s32 $0x1  }
0xbe: {  	_ =	sfence.sel $0xFFFF  }
0xbf: {  	[dreg:$0x0] =	wrdreg $0xFFFFFFFF;
	(pc) =	sbr.abs _section_cstart, $3  }
0xc0: {  	[dreg:$0x1] =	wrdreg $0xFFFFFFFF  }
0xc1: {  	_ =	task.clear_ibuf [dreg:s7], $0x2FFFF;
	_ =	strace $0x9FFFFFFF  }
0xc2: {  	(tm) =	ssettm $0x7FFFFFFF  }
0xc3: {  	_ =	shalt  }
tec
execute0_lowered:
.L_overlay_start_1:
0x0: {  	(tag) =	ssettag $0x1  }
0x1: {  	s3 =	rddreg [dreg:$0x0]  }
0x2: {  	s7 =	rddreg [dreg:$0x1]  }
0x3: {  	s0 =	rddreg [dreg:$0x2];
	s4 =	srdreg.scid  }
0x4: {  	s1 =	stileid.u32;
	s2 =	simm.s32 $0x0;
	s14 =	simm.s32 $0x8800  }
0x5: {  	s15 =	simm.s32 $0x3;
	s16 =	simm.s32 $0x5;
	s17 =	simm.s32 $0x6  }
0x6: {  	s18 =	simm.s32 $0x0;
	s8 =	sand.u32 $0x1, s4;
	s22 =	smul.u32 $0x32, s1  }
0x7: {  	s21 =	sshll.u32 s1, $0x1;
	[smem:$0x7FF] =	sst s2;
	s28 =	smul.u32 $0x32000, s1  }
0x8: {  	s9 =	sadd.s32 $0xA00, s3;
	s3 =	sadd.s32 $0xF42E00, s3;
	s13 =	smul.u32 $0x19, s8  }
0x9: {  	s5 =	sor.u32 s8, s21;
	_ =	strace $0x80000047;
	s29 =	smul.u32 $0x19000, s8  }
0xa: {  	s6 =	ssub.s32 $0x2, s8;
	s4 =	smul.u32 $0x6400, s5;
	s10 =	sshll.u32 s5, $0xA  }
0xb: {  	s11 =	sshrl.u32 s6, $0x1;
	s25 =	smul.u32 $0x19000, s5;
	s31 =	sadd.s32 s28, s7  }
0xc: {  	s10 =	sand.u32 $0xC00, s10;
	s6 =	ssub.s32 s6, s11;
	s26 =	sadd.s32 s13, s22  }
0xd: {  	s11 =	simm.s32 $0x400;
	s13 =	simm.s32 $0x4;
	s12 =	sand.u32 $0xFF000, s4  }
0xe: {  	s23 =	sshrl.u32 s4, $0x3;
	s6 =	smax.u32 s6, $0x1;
	s10 =	sor.u32 s10, s12  }
0xf: {  	s30 =	sadd.s32 s7, s25;
	s24 =	sadd.s32 s9, s23;
	s10 =	sshrl.u32 s10, $0x3  }
0x10: {  	s7 =	sadd.s32 $0x18000, s30;
	s4 =	sadd.s32 s9, s10;
	s10 =	sshll.u32 s26, $0x7  }
0x11: {  	s12 =	simm.s32 $0x800;
	s5 =	sadd.s32 $0x80, s24;
	s9 =	sadd.s32 s9, s10  }
0x12: {  	s10 =	simm.s32 $0x1;
	s8 =	sadd.s32 $0x100, s9;
	s9 =	sadd.s32 s29, s31  }
.LBB2_1:
0x13: {  	[tilespmem:s2], [sflag:$0x1] =	stream.linear.gather [hbm4b:s4+s2], $0x400, $0x38;
	[tilespmem:$0x10800] =	vst v63  }
0x14: {  	_ =	swait.ge [sflag:s10], $0x400  }
0x15: {  	s19 =	sand.u32 $0x1, s2;
	[sflag:s10] =	ssyncset.done $0x0  }
0x16: {  	p0 =	seq.s32 s19, $0x1;
	[sflag:s10] =	ssyncadd.s32 $0xFFFFFC00  }
0x17: {  	[tilespmem:s12], [sflag:$0x3] =	stream.indirect.gather [hbm4b:s3+s11], $0x20, s2, s11, $0xb8;
	[tilespmem:$0x10800] =	vst v63  }
0x18: {  	s19 =	simm.s32 @p0 $0x4  }
0x19: {  	[tilespmem:s11], [sflag:$0x2] =	stream.linear.gather [hbm4b:s5+s2], $0x400, $0x38;
	[tilespmem:$0x10800] =	vst v63  }
0x1a: {  	_ =	swait.ge @p0 [sflag:s19], $0x8000  }
0x1b: {  	s20 =	simm.s32 @p0 $0x1;
	[sflag:s19] =	ssyncset.done @p0 $0x0;
	p0 =	por p0, p0  }
0x1c: {  	[sflag:s19] =	ssyncadd.s32 @p0 $0xFFFF8000;
	s19 =	simm.s32 @p0 $0x0;
	s21 =	simm.s32 @p0 $0x8800  }
0x1d: {  	[hbm4b:s9+s19] =	stream.linear.scatter @p0 [tilespmem:s21], [sflag:$0x6], $0x8000, $0x38;
	[tilespmem:$0x10800] =	vst v63  }
0x1e: {  	_ =	swait.ge @p0 [sflag:s20], $0x400  }
0x1f: {  	s22 =	simm.s32 @p0 $0x800;
	[sflag:s20] =	ssyncset.done @p0 $0x0  }
0x20: {  	s21 =	simm.s32 @p0 $0x6;
	[sflag:s20] =	ssyncadd.s32 @p0 $0xFFFFFC00;
	s20 =	simm.s32 @p0 $0x400  }
0x21: {  	[tilespmem:s22], [sflag:$0x3] =	stream.indirect.gather @p0 [hbm4b:s3+s20], $0x20, s19, s20, $0xb8;
	[tilespmem:$0x10800] =	vst v63  }
0x22: {  	_ =	swait.ge @p0 [sflag:s21], $0x8000  }
0x23: {  	[sflag:s21] =	ssyncset.done @p0 $0x0  }
0x24: {  	[sflag:s21] =	ssyncadd.s32 @p0 $0xFFFF8000;
	s21 =	simm.s32 @!p0 $0x3  }
0x25: {  	[tilespmem:s20], [sflag:$0x2] =	stream.linear.gather @p0 [hbm4b:s8+s19], $0x400, $0x38;
	[tilespmem:$0x10800] =	vst v63  }
0x26: {  	_ =	swait.ge @!p0 [sflag:s21], $0x8000  }
0x27: {  	s23 =	simm.s32 @!p0 $0x0;
	[sflag:s21] =	ssyncset.done @!p0 $0x0  }
0x28: {  	s19 =	simm.s32 @!p0 $0x2;
	s20 =	simm.s32 @!p0 $0x800;
	[sflag:s21] =	ssyncadd.s32 @!p0 $0xFFFF8000  }
0x29: {  	[hbm4b:s9+s23] =	stream.linear.scatter @!p0 [tilespmem:s20], [sflag:$0x5], $0x8000, $0x38;
	[tilespmem:$0x10800] =	vst v63  }
0x2a: {  	s31 =	simm.s32 $0x1;
	s24 =	simm.s32 @!p0 $0x5;
	_ =	swait.ge @!p0 [sflag:s19], $0x400  }
0x2b: {  	s22 =	simm.s32 @!p0 $0x8800;
	s21 =	simm.s32 $0x2;
	[sflag:s19] =	ssyncset.done @!p0 $0x0  }
0x2c: {  	s20 =	sand.u32 $0x1, s31;
	[sflag:s19] =	ssyncadd.s32 @!p0 $0xFFFFFC00;
	s19 =	simm.s32 @!p0 $0x400  }
0x2d: {  	[tilespmem:s22], [sflag:$0x4] =	stream.indirect.gather @!p0 [hbm4b:s3+s19], $0x20, s19, s19, $0xb8;
	[tilespmem:$0x10800] =	vst v63  }
0x2e: {  	p2 =	seq.s32 s20, $0x1;
	s20 =	sadd.s32 $0x80, s8;
	_ =	swait.ge @!p0 [sflag:s24], $0x8000  }
0x2f: {  	s19 =	sadd.s32 $0x1000, s9;
	s22 =	smov.u32 s8;
	[sflag:s24] =	ssyncset.done @!p0 $0x0  }
.LBB2_2:
0x30: {  	s25 =	simm.s32 @p2 $0x4  }
0x31: {  	[sflag:s24] =	ssyncadd.s32 @!p0 $0xFFFF8000;
	s26 =	smov.u32 s21;
	s21 =	sadd.s32 $0x1, s21  }
0x32: {  	[tilespmem:s23], [sflag:$0x1] =	stream.linear.gather @!p0 [hbm4b:s22+s23], $0x400, $0x38;
	[tilespmem:$0x10800] =	vst v63  }
0x33: {  	p1 =	sne.s32 s21, $0x17;
	s22 =	smov.u32 s20;
	_ =	swait.ge @p2 [sflag:s25], $0x8000  }
0x34: {  	s23 =	simm.s32 @p2 $0x1;
	p0 =	por p2, p2;
	[sflag:s25] =	ssyncset.done @p2 $0x0  }
0x35: {  	s24 =	simm.s32 @p0 $0x0;
	[sflag:s25] =	ssyncadd.s32 @p0 $0xFFFF8000;
	s25 =	simm.s32 @p0 $0x8800  }
0x36: {  	[hbm4b:s19+s24] =	stream.linear.scatter @p0 [tilespmem:s25], [sflag:$0x6], $0x8000, $0x38;
	[tilespmem:$0x10800] =	vst v63  }
0x37: {  	_ =	swait.ge @p0 [sflag:s23], $0x400  }
0x38: {  	s25 =	simm.s32 @p0 $0x6;
	[sflag:s23] =	ssyncset.done @p0 $0x0  }
0x39: {  	s28 =	simm.s32 @p0 $0x800;
	[sflag:s23] =	ssyncadd.s32 @p0 $0xFFFFFC00;
	s23 =	simm.s32 @p0 $0x400  }
0x3a: {  	[tilespmem:s28], [sflag:$0x3] =	stream.indirect.gather @p0 [hbm4b:s3+s23], $0x20, s24, s23, $0xb8;
	[tilespmem:$0x10800] =	vst v63  }
0x3b: {  	_ =	swait.ge @p0 [sflag:s25], $0x8000  }
0x3c: {  	[sflag:s25] =	ssyncset.done @p0 $0x0  }
0x3d: {  	[sflag:s25] =	ssyncadd.s32 @p0 $0xFFFF8000;
	s25 =	simm.s32 @!p0 $0x3  }
0x3e: {  	[tilespmem:s23], [sflag:$0x2] =	stream.linear.gather @p0 [hbm4b:s20+s24], $0x400, $0x38;
	[tilespmem:$0x10800] =	vst v63  }
0x3f: {  	_ =	swait.ge @!p0 [sflag:s25], $0x8000  }
0x40: {  	s28 =	simm.s32 @!p0 $0x2;
	[sflag:s25] =	ssyncset.done @!p0 $0x0  }
0x41: {  	s23 =	simm.s32 @!p0 $0x0;
	s24 =	simm.s32 @!p0 $0x800;
	[sflag:s25] =	ssyncadd.s32 @!p0 $0xFFFF8000  }
0x42: {  	[hbm4b:s19+s23] =	stream.linear.scatter @!p0 [tilespmem:s24], [sflag:$0x5], $0x8000, $0x38;
	[tilespmem:$0x10800] =	vst v63  }
0x43: {  	_ =	swait.ge @!p0 [sflag:s28], $0x400  }
.Ltmp0:
0x44: {  	s24 =	simm.s32 @!p0 $0x5;
	[sflag:s28] =	ssyncset.done @!p0 $0x0;
	(pc) =	sbr.rel @p1 .LBB2_2-.Ltmp0, $4  }
0x45: {  	s25 =	simm.s32 @!p0 $0x400;
	[sflag:s28] =	ssyncadd.s32 @!p0 $0xFFFFFC00;
	s28 =	simm.s32 @!p0 $0x8800  }
0x46: {  	[tilespmem:s28], [sflag:$0x4] =	stream.indirect.gather @!p0 [hbm4b:s3+s25], $0x20, s25, s25, $0xb8;
	[tilespmem:$0x10800] =	vst v63  }
0x47: {  	s19 =	sadd.s32 $0x1000, s19;
	s25 =	sand.u32 $0x1, s26;
	_ =	swait.ge @!p0 [sflag:s24], $0x8000  }
0x48: {  	s20 =	sadd.s32 $0x80, s20;
	p2 =	seq.s32 s25, $0x1;
	[sflag:s24] =	ssyncset.done @!p0 $0x0  }
0x49: {  	s21 =	simm.s32 @p2 $0x4;
	[sflag:s24] =	ssyncadd.s32 @!p0 $0xFFFF8000  }
0x4a: {  	[tilespmem:s23], [sflag:$0x1] =	stream.linear.gather @!p0 [hbm4b:s22+s23], $0x400, $0x38;
	[tilespmem:$0x10800] =	vst v63  }
0x4b: {  	_ =	swait.ge @p2 [sflag:s21], $0x8000  }
0x4c: {  	s22 =	simm.s32 @p2 $0x1;
	p0 =	por p2, p2;
	[sflag:s21] =	ssyncset.done @p2 $0x0  }
0x4d: {  	s23 =	simm.s32 @p0 $0x8800;
	[sflag:s21] =	ssyncadd.s32 @p0 $0xFFFF8000;
	s21 =	simm.s32 @p0 $0x0  }
0x4e: {  	[hbm4b:s19+s21] =	stream.linear.scatter @p0 [tilespmem:s23], [sflag:$0x6], $0x8000, $0x38;
	[tilespmem:$0x10800] =	vst v63  }
0x4f: {  	_ =	swait.ge @p0 [sflag:s22], $0x400  }
0x50: {  	s24 =	simm.s32 @p0 $0x800;
	[sflag:s22] =	ssyncset.done @p0 $0x0  }
0x51: {  	s23 =	simm.s32 @p0 $0x6;
	[sflag:s22] =	ssyncadd.s32 @p0 $0xFFFFFC00;
	s22 =	simm.s32 @p0 $0x400  }
0x52: {  	[tilespmem:s24], [sflag:$0x3] =	stream.indirect.gather @p0 [hbm4b:s3+s22], $0x20, s21, s22, $0xb8;
	[tilespmem:$0x10800] =	vst v63  }
0x53: {  	_ =	swait.ge @p0 [sflag:s23], $0x8000  }
0x54: {  	[sflag:s23] =	ssyncset.done @p0 $0x0  }
0x55: {  	[sflag:s23] =	ssyncadd.s32 @p0 $0xFFFF8000;
	s23 =	simm.s32 @!p0 $0x3  }
0x56: {  	[tilespmem:s22], [sflag:$0x2] =	stream.linear.gather @p0 [hbm4b:s20+s21], $0x400, $0x38;
	[tilespmem:$0x10800] =	vst v63  }
0x57: {  	_ =	swait.ge @!p0 [sflag:s23], $0x8000  }
0x58: {  	s21 =	simm.s32 @!p0 $0x2;
	[sflag:s23] =	ssyncset.done @!p0 $0x0  }
0x59: {  	s22 =	simm.s32 @!p0 $0x0;
	[sflag:s23] =	ssyncadd.s32 @!p0 $0xFFFF8000;
	s23 =	simm.s32 @!p0 $0x800  }
0x5a: {  	[hbm4b:s19+s22] =	stream.linear.scatter @!p0 [tilespmem:s23], [sflag:$0x5], $0x8000, $0x38;
	[tilespmem:$0x10800] =	vst v63  }
0x5b: {  	_ =	swait.ge @!p0 [sflag:s21], $0x400  }
0x5c: {  	s24 =	simm.s32 @!p0 $0x8800;
	[sflag:s21] =	ssyncset.done @!p0 $0x0  }
0x5d: {  	s23 =	simm.s32 @!p0 $0x5;
	[sflag:s21] =	ssyncadd.s32 @!p0 $0xFFFFFC00;
	s21 =	simm.s32 @!p0 $0x400  }
0x5e: {  	[tilespmem:s24], [sflag:$0x4] =	stream.indirect.gather @!p0 [hbm4b:s3+s21], $0x20, s21, s21, $0xb8;
	[tilespmem:$0x10800] =	vst v63  }
0x5f: {  	_ =	swait.ge @!p0 [sflag:s23], $0x8000  }
0x60: {  	[sflag:s23] =	ssyncset.done @!p0 $0x0  }
0x61: {  	[sflag:s23] =	ssyncadd.s32 @!p0 $0xFFFF8000  }
0x62: {  	[tilespmem:s22], [sflag:$0x1] =	stream.linear.gather @!p0 [hbm4b:s20+s22], $0x400, $0x38;
	[tilespmem:$0x10800] =	vst v63  }
0x63: {  	_ =	swait.ge [sflag:s13], $0x8000  }
0x64: {  	[sflag:s13] =	ssyncset.done $0x0  }
0x65: {  	s31 =	sadd.s32 $0x1000, s19;
	[sflag:s13] =	ssyncadd.s32 $0xFFFF8000  }
0x66: {  	[hbm4b:s31+s2] =	stream.linear.scatter [tilespmem:s14], [sflag:$0x6], $0x8000, $0x38;
	[tilespmem:$0x10800] =	vst v63  }
0x67: {  	_ =	swait.ge [sflag:s10], $0x400  }
0x68: {  	[sflag:s10] =	ssyncset.done $0x0  }
0x69: {  	[sflag:s10] =	ssyncadd.s32 $0xFFFFFC00  }
0x6a: {  	[tilespmem:s12], [sflag:$0x3] =	stream.indirect.gather [hbm4b:s3+s11], $0x20, s2, s11, $0xb8;
	[tilespmem:$0x10800] =	vst v63  }
0x6b: {  	_ =	swait.ge [sflag:s15], $0x8000  }
0x6c: {  	[sflag:s15] =	ssyncset.done $0x0  }
0x6d: {  	s18 =	sadd.s32 $0x1, s18;
	[sflag:s15] =	ssyncadd.s32 $0xFFFF8000  }
0x6e: {  	[hbm4b:s7+s2] =	stream.linear.scatter [tilespmem:s12], [sflag:$0x5], $0x8000, $0x38;
	[tilespmem:$0x10800] =	vst v63  }
0x6f: {  	p0 =	sne.s32 s18, s6;
	_ =	swait.ge [sflag:s16], $0x8000  }
.Ltmp1:
0x70: {  	[sflag:s16] =	ssyncset.done $0x0;
	(pc) =	sbr.rel @p0 .LBB2_1-.Ltmp1, $4  }
0x71: {  	[sflag:s16] =	ssyncadd.s32 $0xFFFF8000  }
0x72: {  	_ =	swait.ge [sflag:s17], $0x8000  }
0x73: {  	[sflag:s17] =	ssyncset.done $0x0  }
0x74: {  	[sflag:s17] =	ssyncadd.s32 $0xFFFF8000  }
0x75: {  	_ =	sfence.sel $0x180000  }
0x76: {  	[bflag:$0x0] =	sbarrier.arrive $0xFFFF  }
0x77: {  	p0 =	sne.s32 s1, $0x0;
	_ =	strace $0x90000047  }
0x78: {  	s0 =	sadd.s32 @!p0 $0x100000, s0;
	[bflag:$0x2] =	sbarrier.arrive $0xFFFF  }
0x79: {  	[sflag:s0] =	ssyncadd.tile.s32 @!p0 $0x1;
	_ =	shalt  }
.Lfunc_end2:
_tile_overlayer_lowered:
.L_overlay_start_2:
0x7a: {  	(tag) =	ssettag $0x2  }
0x7b: {  	s0 =	rddreg [dreg:$0x0];
	s2 =	stileid.u32  }
0x7c: {  	s1 =	rddreg [dreg:$0x1];
	p0 =	sne.s32 s2, $0x0  }
0x7d: {  	s3 =	rddreg [dreg:$0x2];
	[bflag:$0x3] =	sbarrier.arrive $0xFFFF;
	s2 =	simm.s32 @!p0 $0x1C07  }
0x7e: {  	[timem:s3], [sflag:s2] =	dma.local @!p0 [hbm:s0], s1  }
0x7f: {  	s0 =	simm.s32 @!p0 $0x7  }
0x80: {  	_ =	swait.ge @!p0 [sflag:s0], s1  }
0x81: {  	s1 =	ssub.s32 @!p0 $0x0, s1;
	[sflag:s0] =	ssyncset.done @!p0 $0x0  }
0x82: {  	[sflag:s0] =	ssyncadd.s32 @!p0 s1  }
0x83: {  	[bflag:$0x3] =	sbarrier.arrive $0xFFFF  }
0x84: {  	_ =	shalt  }

// kernel: sparse-core-data-format-call.cloned.1.call-start
scs
called_computation_lowered:
.L_overlay_start_0:
0x0: {  	s2 =	sld [smem:$0x3FD9]  }
0x1: {  	s3 =	sld [smem:$0x3FFE];
	_ =	sdelay $0x1  }
0x2: {  	s1 =	srdreg.scid  }
0x3: {  	s0 =	sand.u32 $0x1, s1  }
0x4: {  	s18 =	sshll.u32 s0, $0xA;
	s2 =	sadd.s32 s3, s2  }
0x5: {  	s2 =	sadd.s32 s2, s18  }
0x6: {  	[smem:$0x3FC6] =	sst s2  }
0x7: {  	_ = 	snop  }
0x8: {  	s2 =	sld [smem:$0x3FD0];
	(tm) =	ssettm $0x1  }
0x9: {  	s19 =	sld [smem:$0x3FFB];
	_ =	sdelay $0x3  }
0xa: {  	_ =	strace s19  }
0xb: {  	s3 =	sld [smem:$0x3FFC];
	_ =	sdelay $0x3  }
0xc: {  	_ =	strace s3  }
0xd: {  	s3 =	sld [smem:$0x3FFD];
	_ =	sdelay $0x3  }
0xe: {  	_ =	strace s3  }
0xf: {  	_ =	strace $0x8FFFFFFF  }
0x10: {  	s20 =	sld [smem:$0x3FDB];
	_ =	sdelay $0x1  }
0x11: {  	s4 =	simm.s32 $_scs_section_size  }
0x12: {  	s5 =	simm.s32 $_size__tile_overlayer_lowered;
	s6 =	simm.s32 $_tile_overlayer_lowered  }
0x13: {  	s23 =	simm.s32 $0x1BFF;
	s22 =	sshll.u32 s6, $0x1;
	s3 =	sadd.s32 s4, s20  }
0x14: {  	s7 =	simm.s32 $0x0;
	s21 =	sshll.u32 s5, $0x1;
	s5 =	sadd.s32 s22, s3  }
0x15: {  	[timem:s7], [sflag:s23] =	dma.local [hbm:s5], s21  }
0x16: {  	_ =	swait.ge [sflag:s23], s21  }
0x17: {  	s4 =	ssub.s32 $0x0, s21;
	[sflag:s23] =	ssyncset.done $0x0  }
0x18: {  	[sflag:s23] =	ssyncadd.s32 s4;
	_ =	sdelay $0x1  }
0x19: {  	s24 =	simm.s32 $0x1B8B  }
0x1a: {  	_ =	swait.ge [sflag:s24], $0x1  }
0x1b: {  	[sflag:s24] =	ssyncset.done $0x0  }
0x1c: {  	s26 =	simm.s32 $0x1B8E;
	s25 =	sld [smem:$0x3FFE];
	[sflag:s24] =	ssyncadd.s32 $0xFFFFFFFF  }
0x1d: {  	s27 =	simm.s32 $execute0_lowered;
	[smem:$0x3FD2] =	sst s26  }
0x1e: {  	s5 =	sshll.u32 s27, $0x1;
	_ =	strace $0x80000049;
	[dreg:$0x1] =	wrdreg $0xFFFFFFFF  }
0x1f: {  	s28 =	simm.s32 $_size_execute0_lowered;
	s3 =	sadd.s32 s3, s5;
	[dreg:$0x0] =	wrdreg $0x0  }
0x20: {  	s5 =	sshll.u32 s28, $0x1;
	[dreg:$0x2] =	wrdreg s3  }
0x21: {  	[dreg:$0x3] =	wrdreg s5  }
0x22: {  	[dreg:$0x4] =	wrdreg $0xC0  }
0x23: {  	_ =	task [dreg:s7], $0x5FFFF  }
0x24: {  	[dreg:$0x1] =	wrdreg $0xFFFFFFFF  }
0x25: {  	[dreg:$0x0] =	wrdreg $0x60  }
0x26: {  	[dreg:$0x2] =	wrdreg s25  }
0x27: {  	[dreg:$0x3] =	wrdreg s2  }
0x28: {  	[dreg:$0x4] =	wrdreg $0x9  }
0x29: {  	_ =	task.clear_ibuf [dreg:s7], $0x5FFFF;
	_ =	strace $0x90000049  }
0x2a: {  	s29 =	simm.s32 $0x9;
	_ =	strace $0x8000004B  }
0x2b: {  	_ =	swait.ge [sflag:s29], $0x1  }
0x2c: {  	[sflag:s29] =	ssyncadd.s32 $0xFFFFFFFF  }
0x2d: {  	_ =	strace $0x9000004B  }
0x2e: {  	_ =	sfence  }
0x2f: {  	s30 =	sld [smem:$0x0];
	_ =	sdelay $0x2  }
0x30: {  	s31 =	sshll.u32 s1, $0xD;
	s1 =	sshrl.u32 s1, $0x2  }
0x31: {  	s3 =	sand.u32 $0x4000, s31;
	s1 =	sadd.s32 s1, s30  }
0x32: {  	s0 =	sor.u32 s3, s0;
	s1 =	sshll.u32 s1, $0x11  }
0x33: {  	s0 =	sor.u32 s1, s0  }
0x34: {  	s0 =	sadd.s32 $0x8F2B, s0  }
0x35: {  	[sflag:s0] =	ssyncadd.remote.s32 $0x1  }
0x36: {  	_ =	sfence.sel $0xFFFF  }
0x37: {  	[dreg:$0x0] =	wrdreg $0xFFFFFFFF;
	(pc) =	sbr.abs _section_cstart, $3  }
0x38: {  	[dreg:$0x1] =	wrdreg $0xFFFFFFFF  }
0x39: {  	_ =	task.clear_ibuf [dreg:s7], $0x2FFFF;
	_ =	strace $0x9FFFFFFF  }
0x3a: {  	(tm) =	ssettm $0x7FFFFFFF  }
0x3b: {  	_ =	shalt  }
tec
execute0_lowered:
.L_overlay_start_1:
0x0: {  	(tag) =	ssettag $0x1  }
0x1: {  	s0 =	srdreg.scid;
	s5 =	rddreg [dreg:$0x0]  }
0x2: {  	s2 =	rddreg [dreg:$0x1];
	s1 =	sshll.u32 s0, $0x4  }
0x3: {  	s9 =	simm.s32 $0x2;
	s0 =	stileid.u32;
	s1 =	sand.u32 $0x10, s1  }
0x4: {  	s15 =	simm.s32 $0x0;
	s11 =	simm.s32 $0x400;
	s4 =	sor.u32 s0, s1  }
0x5: {  	s12 =	simm.s32 $0x8000;
	s16 =	simm.s32 $0x0;
	s3 =	sshll.u32 s4, $0x7  }
0x6: {  	s13 =	simm.s32 $0x0;
	s1 =	rddreg [dreg:$0x2];
	s6 =	ssub.s32 $0x1000, s3  }
0x7: {  	_ =	strace $0x8000004A;
	s8 =	sshll.u32 s4, $0xB;
	s7 =	sand.u32 $0xF80, s6  }
0x8: {  	s4 =	simm.s32 $0x1;
	p0 =	sne.s32 s7, $0x0;
	s7 =	simm.s32 $0x1  }
.Ltmp0:
0x9: {  	s6 =	sshrl.u32 s6, $0xC;
	s7 =	simm.s32 @!p0 $0x0;
	(pc) =	sbr.rel .LBB1_1-.Ltmp0, $4  }
0xa: {  	s14 =	simm.s32 $0x0;
	[sflag:s4] =	ssyncpa.u1 $0x0;
	s6 =	sadd.s32 s7, s6  }
0xb: {  	s10 =	sadd.s32 s8, s5;
	[sflag:s9] =	ssyncpa.u1 $0x0;
	s5 =	smul.u32 $0x32, s6  }
0xc: {  	s8 =	sadd.s32 $0x20A00, s10;
	s9 =	sadd.s32 $0x30A00, s10;
	p0 =	por $0x0, $0x0  }
0xd: {  	s7 =	sadd.s32 $0x10A00, s10;
	s6 =	sadd.s32 $0xA00, s10;
	s10 =	sor.u32 $0x1, s5  }
.LBB1_7:
0xe: {  	s17 =	sadd.s32 $0x4, s13  }
0xf: {  	p2 =	sgt.s32 s17, $0xC7  }
0x10: {  	s17 =	simm.s32 @p2 $0x0;
	p2 =	sne.s32 s14, s10  }
.Ltmp1:
0x11: {  	p1 =	slt.u32 s14, $0x2;
	(pc) =	sbr.rel @!p2 .LBB1_8-.Ltmp1, $4  }
0x12: {  	s15 =	simm.s32 @!p1 $0x2  }
0x13: {  	s18 =	sadd.s32 $0x1, s14;
	s16 =	smov.u32 s13;
	_ =	swait.ge @!p1 [sflag:s15], $0x4000  }
0x14: {  	p0 =	por !p0, !p0;
	s14 =	smov.u32 s18;
	[sflag:s15] =	ssyncset.done @!p1 $0x0  }
0x15: {  	s13 =	smov.u32 s17;
	[sflag:s15] =	ssyncadd.s32 @!p1 $0xFFFFC000;
	s15 =	smov.u32 s3  }
.LBB1_1:
0x16: {  	p1 =	sge.u32 s14, s5  }
0x17: {  	s17 =	sxor.u32 @!p1 $0xFFFFFFFF, s14  }
0x18: {  	s18 =	sshll.u32 @!p1 s13, $0x10;
	s20 =	simm.s32 @!p1 $0x20;
	s17 =	sshll.u32 @!p1 s17, $0xE  }
0x19: {  	s21 =	simm.s32 @!p1 $0x80;
	s19 =	sadd.s32 @!p1 s18, s6;
	s17 =	sand.u32 @!p1 $0x4000, s17  }
0x1a: {  	[tilespmem:s17], [sflag:$0x1] =	stream.strided.gather @!p1 [hbm4b:s19+s20], $0x1000, s21, s20, $0x38;
	[tilespmem:$0x10100] =	vst v63  }
0x1b: {  	s19 =	sadd.s32 @!p1 s18, s7;
	s22 =	sor.u32 @!p1 $0x1000, s17  }
0x1c: {  	[tilespmem:s22], [sflag:$0x1] =	stream.strided.gather @!p1 [hbm4b:s19+s20], $0x1000, s21, s20, $0x38;
	[tilespmem:$0x10100] =	vst v63  }
0x1d: {  	s19 =	sadd.s32 @!p1 s18, s8;
	s22 =	sor.u32 @!p1 $0x2000, s17  }
0x1e: {  	[tilespmem:s22], [sflag:$0x1] =	stream.strided.gather @!p1 [hbm4b:s19+s20], $0x1000, s21, s20, $0x38;
	[tilespmem:$0x10100] =	vst v63  }
0x1f: {  	s31 =	sadd.s32 $0xFFFFFFFF, s14;
	s18 =	sadd.s32 @!p1 s18, s9;
	s17 =	sor.u32 @!p1 $0x3000, s17  }
0x20: {  	[tilespmem:s17], [sflag:$0x1] =	stream.strided.gather @!p1 [hbm4b:s18+s20], $0x1000, s21, s20, $0x38;
	[tilespmem:$0x10100] =	vst v63  }
0x21: {  	p1 =	sge.u32 s31, s5  }
.Ltmp2:
0x22: {  	_ = 	snop;
	(pc) =	sbr.rel @p1 .LBB1_7-.Ltmp2, $1  }
0x23: {  	_ =	sdelay $0x3  }
0x24: {  	s18 =	simm.s32 $0x1;
	s19 =	sand.u32 $0x1, s14  }
0x25: {  	_ =	swait.ge [sflag:s4], $0x4000;
	s18 =	simm.s32 @!p0 $0x0;
	s20 =	smul.u32 $0x10200, s19  }
0x26: {  	[sflag:s4] =	ssyncset.done $0x0;
	s17 =	smul.u32 $0x10200, s18  }
0x27: {  	s18 =	sshll.u32 s18, $0xE;
	[sflag:s4] =	ssyncadd.s32 $0xFFFFC000  }
0x28: {  	s19 =	sor.u32 $0x10, s18;
	s31 =	sshrl.u32 s20, $0x2;
	s17 =	sshrl.u32 s17, $0x2  }
0x29: {  	s20 =	simm.s32 $0x0;
	s18 =	sor.u32 $0x8000, s31;
	s17 =	sor.u32 $0x8000, s17  }
.LBB1_3:
0x2a: {  	v1 =	vld [tilespmem:s19+$0x0]  }
0x2b: {  	v0 =	vld [tilespmem:s19+$0xFFFFFFF0];
	_ =	sdelay $0x2  }
0x2c: {  	s23 =	sadd.s32 $0x0, s17  }
0x2d: {  	s21 =	simm.s32 $0x4;
	s22 =	sadd.s32 $0x20, s19;
	[tilespmem:s23+$0x810 ss:$0x81] =	vst.msk $0xffff, v1  }
.LBB1_4:
0x2e: {  	v1 =	vld [tilespmem:s22+$0x0];
	p1 =	sne.s32 s21, $0x1FC;
	[tilespmem:s23+$0x0 ss:$0x81] =	vst.msk $0xffff, v0;
	s23 =	smov.u32 s21;
	s21 =	sadd.s32 $0x4, s21  }
.Ltmp3:
0x2f: {  	v0 =	vld [tilespmem:s22+$0xFFFFFFF0];
	(pc) =	sbr.rel @p1 .LBB1_4-.Ltmp3, $4  }
0x30: {  	_ = 	snop  }
0x31: {  	s23 =	sshra.s32 s23, $0x2  }
0x32: {  	s23 =	sadd.s32 s23, s17  }
0x33: {  	s22 =	sadd.s32 $0x20, s22;
	[tilespmem:s23+$0x810 ss:$0x81] =	vst.msk $0xffff, v1  }
0x34: {  	s20 =	sadd.s32 $0x1, s20  }
0x35: {  	p1 =	sne.s32 s20, $0x4  }
.Ltmp4:
0x36: {  	_ = 	snop;
	(pc) =	sbr.rel @p1 .LBB1_3-.Ltmp4, $2  }
0x37: {  	_ =	sdelay $0x2  }
0x38: {  	[tilespmem:s23+$0x0 ss:$0x81] =	vst.msk $0xffff, v0;
	s17 =	sadd.s32 $0x1020, s17;
	s19 =	sadd.s32 $0x1000, s19  }
.Ltmp5:
0x39: {  	(pc) =	sbr.rel .LBB1_7-.Ltmp5, $4  }
0x3a: {  	s16 =	sshll.u32 s16, $0xE  }
0x3b: {  	s16 =	sadd.s32 s2, s16  }
0x3c: {  	s15 =	sadd.s32 s15, s16  }
0x3d: {  	[hbm4b:s15+s11] =	stream.strided.scatter [tilespmem:s18], [sflag:$0x2], $0x4000, s12, s11, $0x20;
	[tilespmem:$0x10100] =	vst v63  }
.LBB1_8:
0x3e: {  	_ =	sfence.sel $0x180000  }
0x3f: {  	s2 =	simm.s32 $0x1;
	[bflag:$0x0] =	sbarrier.arrive $0xFFFF  }
0x40: {  	s31 =	simm.s32 $0x2;
	[sflag:s2] =	ssyncpa.u1 $0x1  }
0x41: {  	[sflag:s31] =	ssyncpa.u1 $0x1  }
0x42: {  	p0 =	sne.s32 s0, $0x0;
	_ =	strace $0x9000004A  }
0x43: {  	s0 =	sadd.s32 @!p0 $0x100000, s1;
	[bflag:$0x2] =	sbarrier.arrive $0xFFFF  }
0x44: {  	[sflag:s0] =	ssyncadd.tile.s32 @!p0 $0x1;
	_ =	shalt  }
.Lfunc_end1:
_tile_overlayer_lowered:
.L_overlay_start_2:
0x45: {  	(tag) =	ssettag $0x2  }
0x46: {  	s0 =	rddreg [dreg:$0x0];
	s2 =	stileid.u32  }
0x47: {  	s1 =	rddreg [dreg:$0x1];
	p0 =	sne.s32 s2, $0x0  }
0x48: {  	s3 =	rddreg [dreg:$0x2];
	[bflag:$0x3] =	sbarrier.arrive $0xFFFF;
	s2 =	simm.s32 @!p0 $0x1C01  }
0x49: {  	[timem:s3], [sflag:s2] =	dma.local @!p0 [hbm:s0], s1  }
0x4a: {  	s0 =	simm.s32 @!p0 $0x1  }
0x4b: {  	_ =	swait.ge @!p0 [sflag:s0], s1  }
0x4c: {  	s1 =	ssub.s32 @!p0 $0x0, s1;
	[sflag:s0] =	ssyncset.done @!p0 $0x0  }
0x4d: {  	[sflag:s0] =	ssyncadd.s32 @!p0 s1  }
0x4e: {  	[bflag:$0x3] =	sbarrier.arrive $0xFFFF  }
0x4f: {  	_ =	shalt  }

</sc_bundles>
